<compile_context>
chip_gen: v7x
topology: tpu7x:2x2x1
jax: 0.10.2.dev20260603
libtpu: 0.0.44.dev20260713+nightly
codegen_flags: <defaults>
</compile_context>

<pallas_src>
import functools

import numpy as np
import jax
import jax.numpy as jnp
from jax.experimental import pallas as pl
from jax.experimental.pallas import tpu as pltpu

_BATCH = 16384
_DIM = 128
_DH = 64
_HID = 256
_K = 8
_TB = 3.0
_MIN_BW = 0.001
_MIN_BH = 0.001
_MIN_D = 0.001
_BLK = 512

_DCONST = float(np.log(np.exp(1.0 - _MIN_D) - 1.0))


def _mlp(xT, w1, b1, w2, b2, w3, b3):
    h = jnp.dot(w1, xT, preferred_element_type=jnp.float32) + b1
    h = h * jax.lax.logistic(h)
    h = jnp.dot(w2, h, preferred_element_type=jnp.float32) + b2
    h = h * jax.lax.logistic(h)
    return jnp.dot(w3, h, preferred_element_type=jnp.float32) + b3


def _spline(inp, coef):
    uw = [coef[64 * k:64 * (k + 1), :] for k in range(_K)]
    uh = [coef[64 * (_K + k):64 * (_K + k + 1), :] for k in range(_K)]
    ud = [coef[64 * (2 * _K + c):64 * (2 * _K + c + 1), :] for c in range(_K - 1)]

    def _norm_cum(u, min_b, lo, hi):
        m = u[0]
        for k in range(1, _K):
            m = jnp.maximum(m, u[k])
        e = [jnp.exp(u[k] - m) for k in range(_K)]
        s = e[0]
        for k in range(1, _K):
            s = s + e[k]
        inv = (1.0 - min_b * _K) / s
        w = [min_b + e[k] * inv for k in range(_K)]
        c = [lo]
        acc = w[0]
        for k in range(1, _K):
            c.append(lo + (hi - lo) * acc)
            acc = acc + w[k]
        c.append(hi)
        wd = [c[k + 1] - c[k] for k in range(_K)]
        return c, wd

    cw, wid = _norm_cum(uw, _MIN_BW, -_TB, _TB)
    ch, hgt = _norm_cum(uh, _MIN_BH, -_TB, _TB)

    d0 = float(_MIN_D + np.log1p(np.exp(_DCONST)))
    d = [d0] + [_MIN_D + jax.nn.softplus(ud[c]) for c in range(_K - 1)] + [d0]

    bins = jnp.where(inp >= cw[0], 1, 0)
    for k in range(1, _K):
        bins = bins + jnp.where(inp >= cw[k], 1, 0)
    bins = bins + jnp.where(inp >= _TB + 1e-6, 1, 0)
    bins = jnp.clip(bins - 1, 0, _K - 1)

    in_cw = jnp.full_like(inp, cw[0])
    in_w = wid[0]
    in_ch = jnp.full_like(inp, ch[0])
    in_h = hgt[0]
    in_d = jnp.full_like(inp, d[0])
    in_dp1 = d[1]
    for k in range(1, _K):
        mk = bins == k
        in_cw = jnp.where(mk, cw[k], in_cw)
        in_w = jnp.where(mk, wid[k], in_w)
        in_ch = jnp.where(mk, ch[k], in_ch)
        in_h = jnp.where(mk, hgt[k], in_h)
        in_d = jnp.where(mk, d[k], in_d)
        in_dp1 = jnp.where(mk, d[k + 1], in_dp1)

    delta = in_h / in_w
    theta = (inp - in_cw) / in_w
    tt = theta * (1.0 - theta)
    th2 = theta * theta
    num = in_h * (delta * th2 + in_d * tt)
    den = delta + (in_d + in_dp1 - 2.0 * delta) * tt
    out_in = in_ch + num / den
    dnum = (delta * delta) * (in_dp1 * th2 + 2.0 * delta * tt
                              + in_d * (1.0 - theta) * (1.0 - theta))
    lad = jnp.log(dnum) - 2.0 * jnp.log(den)
    inside = (inp >= -_TB) & (inp <= _TB)
    return jnp.where(inside, out_in, inp), jnp.where(inside, lad, 0.0)


def _body(xT_ref, w11, b11, w21, b21, w31, b31,
          w12, b12, w22, b22, w32, b32, yT_ref, ld_ref):
    xb = xT_ref[...]
    lower = xb[:_DH, :]
    upper = xb[_DH:, :]
    out1 = _mlp(lower, w11[...], b11[...], w21[...], b21[...], w31[...], b31[...])
    upper_t, lad1 = _spline(upper, out1)
    out2 = _mlp(upper_t, w12[...], b12[...], w22[...], b22[...], w32[...], b32[...])
    lower_t, lad2 = _spline(lower, out2)
    yT_ref[:_DH, :] = lower_t
    yT_ref[_DH:, :] = upper_t
    ld_ref[...] = (jnp.sum(lad1, axis=0, keepdims=True)
                   + jnp.sum(lad2, axis=0, keepdims=True))


_PERM = (np.arange(_DH)[None, :] * (3 * _K - 1) + np.arange(3 * _K - 1)[:, None]).reshape(-1)


@functools.partial(jax.jit, static_argnums=())
def kernel(x, f1_W1, f1_b1, f1_W2, f1_b2, f1_W3, f1_b3,
           f2_W1, f2_b1, f2_W2, f2_b2, f2_W3, f2_b3):
    xT = x.T
    w11 = f1_W1.T
    b11 = f1_b1.reshape(-1, 1)
    w21 = f1_W2.T
    b21 = f1_b2.reshape(-1, 1)
    w31 = f1_W3[:, _PERM].T
    b31 = f1_b3[_PERM].reshape(-1, 1)
    w12 = f2_W1.T
    b12 = f2_b1.reshape(-1, 1)
    w22 = f2_W2.T
    b22 = f2_b2.reshape(-1, 1)
    w32 = f2_W3[:, _PERM].T
    b32 = f2_b3[_PERM].reshape(-1, 1)

    full = lambda s: pl.BlockSpec(s, lambda i: (0, 0))
    yT, ld = pl.pallas_call(
        _body,
        grid=(_BATCH // _BLK,),
        in_specs=[
            pl.BlockSpec((_DIM, _BLK), lambda i: (0, i)),
            full(w11.shape), full(b11.shape), full(w21.shape), full(b21.shape),
            full(w31.shape), full(b31.shape),
            full(w12.shape), full(b12.shape), full(w22.shape), full(b22.shape),
            full(w32.shape), full(b32.shape),
        ],
        out_specs=[
            pl.BlockSpec((_DIM, _BLK), lambda i: (0, i)),
            pl.BlockSpec((1, _BLK), lambda i: (0, i)),
        ],
        out_shape=[
            jax.ShapeDtypeStruct((_DIM, _BATCH), jnp.float32),
            jax.ShapeDtypeStruct((1, _BATCH), jnp.float32),
        ],
        compiler_params=pltpu.CompilerParams(
            dimension_semantics=("arbitrary",)),
    )(xT, w11, b11, w21, b21, w31, b31, w12, b12, w22, b22, w32, b32)
    return yT.T, ld.reshape(-1)

# --- scband reference (transcript-rebuilt; emitter-appended) ---
"""Pipeline reference for scband-nsf-cl-22376779612817 (READ-ONLY COPY).

The authoritative reference and input builder live on the scoring server;
editing this copy changes nothing except your own understanding.
"""

import jax, jax.numpy as jnp
import numpy as np

BATCH = 16384
DIM = 128
HID = 256
K = 8
B = 3.0
MIN_BW = 0.001
MIN_BH = 0.001
MIN_D = 0.001


def searchsorted(bin_locations, inputs, eps=1e-6):
    bin_locations = bin_locations.at[..., -1].add(eps)
    return jnp.sum(inputs[..., None] >= bin_locations, axis=-1) - 1


def RQS(inputs, uw, uh, ud, left, right, bottom, top):
    num_bins = uw.shape[-1]
    widths = jax.nn.softmax(uw, axis=-1)
    widths = MIN_BW + (1.0 - MIN_BW * num_bins) * widths
    cumwidths = jnp.cumsum(widths, axis=-1)
    cumwidths = jnp.pad(cumwidths, ((0, 0), (0, 0), (1, 0)))
    cumwidths = (right - left) * cumwidths + left
    cumwidths = cumwidths.at[:, :, 0].set(left)
    cumwidths = cumwidths.at[:, :, -1].set(right)
    widths = cumwidths[..., 1:] - cumwidths[..., :-1]
    derivatives = MIN_D + jax.nn.softplus(ud)
    heights = jax.nn.softmax(uh, axis=-1)
    heights = MIN_BH + (1.0 - MIN_BH * num_bins) * heights
    cumheights = jnp.cumsum(heights, axis=-1)
    cumheights = jnp.pad(cumheights, ((0, 0), (0, 0), (1, 0)))
    cumheights = (top - bottom) * cumheights + bottom
    cumheights = cumheights.at[:, :, 0].set(bottom)
    cumheights = cumheights.at[:, :, -1].set(top)
    heights = cumheights[..., 1:] - cumheights[..., :-1]
    bin_idx = searchsorted(cumwidths, inputs)[..., None]
    bin_idx = jnp.clip(bin_idx, 0, num_bins - 1)
    input_cumwidths = jnp.take_along_axis(cumwidths, bin_idx, axis=-1)[..., 0]
    input_bin_widths = jnp.take_along_axis(widths, bin_idx, axis=-1)[..., 0]
    input_cumheights = jnp.take_along_axis(cumheights, bin_idx, axis=-1)[..., 0]
    delta = heights / widths
    input_delta = jnp.take_along_axis(delta, bin_idx, axis=-1)[..., 0]
    input_derivatives = jnp.take_along_axis(derivatives, bin_idx, axis=-1)[..., 0]
    input_derivatives_plus_one = jnp.take_along_axis(derivatives[..., 1:], bin_idx, axis=-1)[..., 0]
    input_heights = jnp.take_along_axis(heights, bin_idx, axis=-1)[..., 0]
    theta = (inputs - input_cumwidths) / input_bin_widths
    theta_one_minus_theta = theta * (1 - theta)
    numerator = input_heights * (input_delta * theta ** 2 + input_derivatives * theta_one_minus_theta)
    denominator = input_delta + (input_derivatives + input_derivatives_plus_one - 2 * input_delta) * theta_one_minus_theta
    outputs = input_cumheights + numerator / denominator
    derivative_numerator = input_delta ** 2 * (input_derivatives_plus_one * theta ** 2 + 2 * input_delta * theta_one_minus_theta + input_derivatives * (1 - theta) ** 2)
    logabsdet = jnp.log(derivative_numerator) - 2 * jnp.log(denominator)
    return outputs, logabsdet


def unconstrained_RQS(inputs, uw, uh, ud, tail_bound):
    inside = (inputs >= -tail_bound) & (inputs <= tail_bound)
    ud = jnp.pad(ud, ((0, 0), (0, 0), (1, 1)))
    constant = float(np.log(np.exp(1 - MIN_D) - 1))
    ud = ud.at[:, :, 0].set(constant)
    ud = ud.at[:, :, -1].set(constant)
    out_in, lad_in = RQS(inputs, uw, uh, ud, -tail_bound, tail_bound, -tail_bound, tail_bound)
    outputs = jnp.where(inside, out_in, inputs)
    logabsdet = jnp.where(inside, lad_in, 0.0)
    return outputs, logabsdet


def fcnn(x, W1, b1, W2, b2, W3, b3):
    h = jax.nn.silu(x @ W1 + b1)
    h = jax.nn.silu(h @ W2 + b2)
    return h @ W3 + b3


def setup_inputs(seed: int = 0):
    key = jax.random.key(seed)
    ks = jax.random.split(key, 13)
    d_half = DIM // 2

    def lin(kw, kb, fan_in, fan_out):
        bound = 1.0 / np.sqrt(fan_in)
        W = jax.random.uniform(kw, (fan_in, fan_out), minval=-bound, maxval=bound, dtype=jnp.float32)
        b = jax.random.uniform(kb, (fan_out,), minval=0.0, maxval=0.1, dtype=jnp.float32)
        return W, b

    f1_W1, f1_b1 = lin(ks[0], ks[1], d_half, HID)
    f1_W2, f1_b2 = lin(ks[2], ks[3], HID, HID)
    f1_W3, f1_b3 = lin(ks[4], ks[5], HID, (3 * K - 1) * (DIM - d_half))
    f2_W1, f2_b1 = lin(ks[6], ks[7], DIM - d_half, HID)
    f2_W2, f2_b2 = lin(ks[8], ks[9], HID, HID)
    f2_W3, f2_b3 = lin(ks[10], ks[11], HID, (3 * K - 1) * d_half)
    x = jax.random.uniform(ks[12], (BATCH, DIM), dtype=jnp.float32)
    return {"x": x,
            "f1_W1": f1_W1, "f1_b1": f1_b1, "f1_W2": f1_W2, "f1_b2": f1_b2, "f1_W3": f1_W3, "f1_b3": f1_b3,
            "f2_W1": f2_W1, "f2_b1": f2_b1, "f2_W2": f2_W2, "f2_b2": f2_b2, "f2_W3": f2_W3, "f2_b3": f2_b3}


def reference(x, f1_W1, f1_b1, f1_W2, f1_b2, f1_W3, f1_b3, f2_W1, f2_b1, f2_W2, f2_b2, f2_W3, f2_b3):
    d_half = DIM // 2
    lower, upper = x[:, :d_half], x[:, d_half:]
    out = fcnn(lower, f1_W1, f1_b1, f1_W2, f1_b2, f1_W3, f1_b3).reshape(-1, DIM - d_half, 3 * K - 1)
    W, H, D = out[..., :K], out[..., K:2 * K], out[..., 2 * K:]
    upper_t, ld1 = unconstrained_RQS(upper, W, H, D, B)
    log_det = jnp.sum(ld1, axis=1)
    out = fcnn(upper_t, f2_W1, f2_b1, f2_W2, f2_b2, f2_W3, f2_b3).reshape(-1, d_half, 3 * K - 1)
    W, H, D = out[..., :K], out[..., K:2 * K], out[..., 2 * K:]
    lower_t, ld2 = unconstrained_RQS(lower, W, H, D, B)
    log_det = log_det + jnp.sum(ld2, axis=1)
    return jnp.concatenate([lower_t, upper_t], axis=1), log_det


if False:  # reference __main__ guard neutralized (emitter)
    inp = setup_inputs()
    y, ld = reference(**inp)
    print(y.shape, ld.shape)

if __name__ == "__main__":
    import jax
    _d = setup_inputs()
    print(jax.jit(kernel)(*tuple(_d.values())))

</pallas_src>

<mosaic_0001>
module attributes {stable_mosaic.version = 14 : i64} {
  func.func @_body(%arg0: i32, %arg1: memref<128x512xf32, #tpu.memory_space<vmem>>, %arg2: memref<256x64xf32, #tpu.memory_space<vmem>>, %arg3: memref<256x1xf32, #tpu.memory_space<vmem>>, %arg4: memref<256x256xf32, #tpu.memory_space<vmem>>, %arg5: memref<256x1xf32, #tpu.memory_space<vmem>>, %arg6: memref<1472x256xf32, #tpu.memory_space<vmem>>, %arg7: memref<1472x1xf32, #tpu.memory_space<vmem>>, %arg8: memref<256x64xf32, #tpu.memory_space<vmem>>, %arg9: memref<256x1xf32, #tpu.memory_space<vmem>>, %arg10: memref<256x256xf32, #tpu.memory_space<vmem>>, %arg11: memref<256x1xf32, #tpu.memory_space<vmem>>, %arg12: memref<1472x256xf32, #tpu.memory_space<vmem>>, %arg13: memref<1472x1xf32, #tpu.memory_space<vmem>>, %arg14: memref<128x512xf32, #tpu.memory_space<vmem>>, %arg15: memref<1x512xf32, #tpu.memory_space<vmem>>) attributes {dimension_semantics = [#tpu.dimension_semantics<arbitrary>], iteration_bounds = array<i64: 32>, scalar_prefetch = 0 : i64, scratch_operands = 0 : i64, tpu.core_type = #tpu.core_type<tc>, window_params = [{transform_indices = @transform_0, window_bounds = array<i64: 128, 512>}, {pipeline_mode = #tpu.pipeline_mode<synchronous>, transform_indices = @transform_1, window_bounds = array<i64: 256, 64>}, {pipeline_mode = #tpu.pipeline_mode<synchronous>, transform_indices = @transform_2, window_bounds = array<i64: 256, 1>}, {pipeline_mode = #tpu.pipeline_mode<synchronous>, transform_indices = @transform_3, window_bounds = array<i64: 256, 256>}, {pipeline_mode = #tpu.pipeline_mode<synchronous>, transform_indices = @transform_4, window_bounds = array<i64: 256, 1>}, {pipeline_mode = #tpu.pipeline_mode<synchronous>, transform_indices = @transform_5, window_bounds = array<i64: 1472, 256>}, {pipeline_mode = #tpu.pipeline_mode<synchronous>, transform_indices = @transform_6, window_bounds = array<i64: 1472, 1>}, {pipeline_mode = #tpu.pipeline_mode<synchronous>, transform_indices = @transform_7, window_bounds = array<i64: 256, 64>}, {pipeline_mode = #tpu.pipeline_mode<synchronous>, transform_indices = @transform_8, window_bounds = array<i64: 256, 1>}, {pipeline_mode = #tpu.pipeline_mode<synchronous>, transform_indices = @transform_9, window_bounds = array<i64: 256, 256>}, {pipeline_mode = #tpu.pipeline_mode<synchronous>, transform_indices = @transform_10, window_bounds = array<i64: 256, 1>}, {pipeline_mode = #tpu.pipeline_mode<synchronous>, transform_indices = @transform_11, window_bounds = array<i64: 1472, 256>}, {pipeline_mode = #tpu.pipeline_mode<synchronous>, transform_indices = @transform_12, window_bounds = array<i64: 1472, 1>}, {transform_indices = @transform_13, window_bounds = array<i64: 128, 512>}, {transform_indices = @transform_14, window_bounds = array<i64: 1, 512>}]} {
    %get3A = arith.constant 0 : index
    %get3A_0 = arith.constant 0 : index
    %get3A_1 = vector.load %arg1[%get3A, %get3A_0] : memref<128x512xf32, #tpu.memory_space<vmem>>, vector<128x512xf32>
    %slice3A = vector.extract_strided_slice %get3A_1 {offsets = [0, 0], sizes = [64, 512], strides = [1, 1]} : vector<128x512xf32> to vector<64x512xf32>
    %slice3A_2 = vector.extract_strided_slice %get3A_1 {offsets = [64, 0], sizes = [64, 512], strides = [1, 1]} : vector<128x512xf32> to vector<64x512xf32>
    %get3A_3 = arith.constant 0 : index
    %get3A_4 = arith.constant 0 : index
    %get3A_5 = vector.load %arg2[%get3A_3, %get3A_4] : memref<256x64xf32, #tpu.memory_space<vmem>>, vector<256x64xf32>
    %get3A_6 = arith.constant 0 : index
    %get3A_7 = arith.constant 0 : index
    %get3A_8 = vector.load %arg3[%get3A_6, %get3A_7] : memref<256x1xf32, #tpu.memory_space<vmem>>, vector<256x1xf32>
    %get3A_9 = arith.constant 0 : index
    %get3A_10 = arith.constant 0 : index
    %get3A_11 = vector.load %arg4[%get3A_9, %get3A_10] : memref<256x256xf32, #tpu.memory_space<vmem>>, vector<256x256xf32>
    %get3A_12 = arith.constant 0 : index
    %get3A_13 = arith.constant 0 : index
    %get3A_14 = vector.load %arg5[%get3A_12, %get3A_13] : memref<256x1xf32, #tpu.memory_space<vmem>>, vector<256x1xf32>
    %get3A_15 = arith.constant 0 : index
    %get3A_16 = arith.constant 0 : index
    %get3A_17 = vector.load %arg6[%get3A_15, %get3A_16] : memref<1472x256xf32, #tpu.memory_space<vmem>>, vector<1472x256xf32>
    %get3A_18 = arith.constant 0 : index
    %get3A_19 = arith.constant 0 : index
    %get3A_20 = vector.load %arg7[%get3A_18, %get3A_19] : memref<1472x1xf32, #tpu.memory_space<vmem>>, vector<1472x1xf32>
    %dot_general3A = arith.constant dense<0.000000e+00> : vector<256x512xf32>
    %dot_general3A_21 = tpu.matmul %get3A_5, %slice3A, %dot_general3A {dimension_numbers = #tpu.dot_dimension_numbers<[1], [0], [0], [1], [0, 0, 1, 1], [], []>, transpose_lhs_hint = false} : vector<256x64xf32>, vector<64x512xf32>, vector<256x512xf32> -> vector<256x512xf32>
    %add3A = vector.broadcast %get3A_8 : vector<256x1xf32> to vector<256x512xf32>
    %add3A_22 = arith.addf %dot_general3A_21, %add3A : vector<256x512xf32>
    %logistic3A = arith.negf %add3A_22 : vector<256x512xf32>
    %logistic3A_23 = math.exp %logistic3A : vector<256x512xf32>
    %logistic3A_24 = arith.constant 1.000000e+00 : f32
    %logistic3A_25 = vector.broadcast %logistic3A_24 : f32 to vector<256x512xf32>
    %logistic3A_26 = arith.addf %logistic3A_25, %logistic3A_23 : vector<256x512xf32>
    %logistic3A_27 = arith.divf %logistic3A_25, %logistic3A_26 : vector<256x512xf32>
    %mul3A = arith.mulf %add3A_22, %logistic3A_27 : vector<256x512xf32>
    %dot_general3A_28 = arith.constant dense<0.000000e+00> : vector<256x512xf32>
    %dot_general3A_29 = tpu.matmul %get3A_11, %mul3A, %dot_general3A_28 {dimension_numbers = #tpu.dot_dimension_numbers<[1], [0], [0], [1], [0, 0, 1, 1], [], []>, transpose_lhs_hint = false} : vector<256x256xf32>, vector<256x512xf32>, vector<256x512xf32> -> vector<256x512xf32>
    %add3A_30 = vector.broadcast %get3A_14 : vector<256x1xf32> to vector<256x512xf32>
    %add3A_31 = arith.addf %dot_general3A_29, %add3A_30 : vector<256x512xf32>
    %logistic3A_32 = arith.negf %add3A_31 : vector<256x512xf32>
    %logistic3A_33 = math.exp %logistic3A_32 : vector<256x512xf32>
    %logistic3A_34 = arith.constant 1.000000e+00 : f32
    %logistic3A_35 = vector.broadcast %logistic3A_34 : f32 to vector<256x512xf32>
    %logistic3A_36 = arith.addf %logistic3A_35, %logistic3A_33 : vector<256x512xf32>
    %logistic3A_37 = arith.divf %logistic3A_35, %logistic3A_36 : vector<256x512xf32>
    %mul3A_38 = arith.mulf %add3A_31, %logistic3A_37 : vector<256x512xf32>
    %dot_general3A_39 = arith.constant dense<0.000000e+00> : vector<1472x512xf32>
    %dot_general3A_40 = tpu.matmul %get3A_17, %mul3A_38, %dot_general3A_39 {dimension_numbers = #tpu.dot_dimension_numbers<[1], [0], [0], [1], [0, 0, 1, 1], [], []>, transpose_lhs_hint = false} : vector<1472x256xf32>, vector<256x512xf32>, vector<1472x512xf32> -> vector<1472x512xf32>
    %add3A_41 = vector.broadcast %get3A_20 : vector<1472x1xf32> to vector<1472x512xf32>
    %add3A_42 = arith.addf %dot_general3A_40, %add3A_41 : vector<1472x512xf32>
    %slice3A_43 = vector.extract_strided_slice %add3A_42 {offsets = [0, 0], sizes = [64, 512], strides = [1, 1]} : vector<1472x512xf32> to vector<64x512xf32>
    %slice3A_44 = vector.extract_strided_slice %add3A_42 {offsets = [64, 0], sizes = [64, 512], strides = [1, 1]} : vector<1472x512xf32> to vector<64x512xf32>
    %slice3A_45 = vector.extract_strided_slice %add3A_42 {offsets = [128, 0], sizes = [64, 512], strides = [1, 1]} : vector<1472x512xf32> to vector<64x512xf32>
    %slice3A_46 = vector.extract_strided_slice %add3A_42 {offsets = [192, 0], sizes = [64, 512], strides = [1, 1]} : vector<1472x512xf32> to vector<64x512xf32>
    %slice3A_47 = vector.extract_strided_slice %add3A_42 {offsets = [256, 0], sizes = [64, 512], strides = [1, 1]} : vector<1472x512xf32> to vector<64x512xf32>
    %slice3A_48 = vector.extract_strided_slice %add3A_42 {offsets = [320, 0], sizes = [64, 512], strides = [1, 1]} : vector<1472x512xf32> to vector<64x512xf32>
    %slice3A_49 = vector.extract_strided_slice %add3A_42 {offsets = [384, 0], sizes = [64, 512], strides = [1, 1]} : vector<1472x512xf32> to vector<64x512xf32>
    %slice3A_50 = vector.extract_strided_slice %add3A_42 {offsets = [448, 0], sizes = [64, 512], strides = [1, 1]} : vector<1472x512xf32> to vector<64x512xf32>
    %slice3A_51 = vector.extract_strided_slice %add3A_42 {offsets = [512, 0], sizes = [64, 512], strides = [1, 1]} : vector<1472x512xf32> to vector<64x512xf32>
    %slice3A_52 = vector.extract_strided_slice %add3A_42 {offsets = [576, 0], sizes = [64, 512], strides = [1, 1]} : vector<1472x512xf32> to vector<64x512xf32>
    %slice3A_53 = vector.extract_strided_slice %add3A_42 {offsets = [640, 0], sizes = [64, 512], strides = [1, 1]} : vector<1472x512xf32> to vector<64x512xf32>
    %slice3A_54 = vector.extract_strided_slice %add3A_42 {offsets = [704, 0], sizes = [64, 512], strides = [1, 1]} : vector<1472x512xf32> to vector<64x512xf32>
    %slice3A_55 = vector.extract_strided_slice %add3A_42 {offsets = [768, 0], sizes = [64, 512], strides = [1, 1]} : vector<1472x512xf32> to vector<64x512xf32>
    %slice3A_56 = vector.extract_strided_slice %add3A_42 {offsets = [832, 0], sizes = [64, 512], strides = [1, 1]} : vector<1472x512xf32> to vector<64x512xf32>
    %slice3A_57 = vector.extract_strided_slice %add3A_42 {offsets = [896, 0], sizes = [64, 512], strides = [1, 1]} : vector<1472x512xf32> to vector<64x512xf32>
    %slice3A_58 = vector.extract_strided_slice %add3A_42 {offsets = [960, 0], sizes = [64, 512], strides = [1, 1]} : vector<1472x512xf32> to vector<64x512xf32>
    %slice3A_59 = vector.extract_strided_slice %add3A_42 {offsets = [1024, 0], sizes = [64, 512], strides = [1, 1]} : vector<1472x512xf32> to vector<64x512xf32>
    %slice3A_60 = vector.extract_strided_slice %add3A_42 {offsets = [1088, 0], sizes = [64, 512], strides = [1, 1]} : vector<1472x512xf32> to vector<64x512xf32>
    %slice3A_61 = vector.extract_strided_slice %add3A_42 {offsets = [1152, 0], sizes = [64, 512], strides = [1, 1]} : vector<1472x512xf32> to vector<64x512xf32>
    %slice3A_62 = vector.extract_strided_slice %add3A_42 {offsets = [1216, 0], sizes = [64, 512], strides = [1, 1]} : vector<1472x512xf32> to vector<64x512xf32>
    %slice3A_63 = vector.extract_strided_slice %add3A_42 {offsets = [1280, 0], sizes = [64, 512], strides = [1, 1]} : vector<1472x512xf32> to vector<64x512xf32>
    %slice3A_64 = vector.extract_strided_slice %add3A_42 {offsets = [1344, 0], sizes = [64, 512], strides = [1, 1]} : vector<1472x512xf32> to vector<64x512xf32>
    %slice3A_65 = vector.extract_strided_slice %add3A_42 {offsets = [1408, 0], sizes = [64, 512], strides = [1, 1]} : vector<1472x512xf32> to vector<64x512xf32>
    %max3A = arith.maximumf %slice3A_43, %slice3A_44 : vector<64x512xf32>
    %max3A_66 = arith.maximumf %max3A, %slice3A_45 : vector<64x512xf32>
    %max3A_67 = arith.maximumf %max3A_66, %slice3A_46 : vector<64x512xf32>
    %max3A_68 = arith.maximumf %max3A_67, %slice3A_47 : vector<64x512xf32>
    %max3A_69 = arith.maximumf %max3A_68, %slice3A_48 : vector<64x512xf32>
    %max3A_70 = arith.maximumf %max3A_69, %slice3A_49 : vector<64x512xf32>
    %max3A_71 = arith.maximumf %max3A_70, %slice3A_50 : vector<64x512xf32>
    %sub3A = arith.subf %slice3A_43, %max3A_71 : vector<64x512xf32>
    %exp3A = math.exp %sub3A : vector<64x512xf32>
    %sub3A_72 = arith.subf %slice3A_44, %max3A_71 : vector<64x512xf32>
    %exp3A_73 = math.exp %sub3A_72 : vector<64x512xf32>
    %sub3A_74 = arith.subf %slice3A_45, %max3A_71 : vector<64x512xf32>
    %exp3A_75 = math.exp %sub3A_74 : vector<64x512xf32>
    %sub3A_76 = arith.subf %slice3A_46, %max3A_71 : vector<64x512xf32>
    %exp3A_77 = math.exp %sub3A_76 : vector<64x512xf32>
    %sub3A_78 = arith.subf %slice3A_47, %max3A_71 : vector<64x512xf32>
    %exp3A_79 = math.exp %sub3A_78 : vector<64x512xf32>
    %sub3A_80 = arith.subf %slice3A_48, %max3A_71 : vector<64x512xf32>
    %exp3A_81 = math.exp %sub3A_80 : vector<64x512xf32>
    %sub3A_82 = arith.subf %slice3A_49, %max3A_71 : vector<64x512xf32>
    %exp3A_83 = math.exp %sub3A_82 : vector<64x512xf32>
    %sub3A_84 = arith.subf %slice3A_50, %max3A_71 : vector<64x512xf32>
    %exp3A_85 = math.exp %sub3A_84 : vector<64x512xf32>
    %add3A_86 = arith.addf %exp3A, %exp3A_73 : vector<64x512xf32>
    %add3A_87 = arith.addf %add3A_86, %exp3A_75 : vector<64x512xf32>
    %add3A_88 = arith.addf %add3A_87, %exp3A_77 : vector<64x512xf32>
    %add3A_89 = arith.addf %add3A_88, %exp3A_79 : vector<64x512xf32>
    %add3A_90 = arith.addf %add3A_89, %exp3A_81 : vector<64x512xf32>
    %add3A_91 = arith.addf %add3A_90, %exp3A_83 : vector<64x512xf32>
    %add3A_92 = arith.addf %add3A_91, %exp3A_85 : vector<64x512xf32>
    %div3A = arith.constant 0.991999983 : f32
    %div3A_93 = vector.broadcast %div3A : f32 to vector<64x512xf32>
    %div3A_94 = arith.divf %div3A_93, %add3A_92 : vector<64x512xf32>
    %mul3A_95 = arith.mulf %exp3A, %div3A_94 : vector<64x512xf32>
    %add3A_96 = arith.constant 1.000000e-03 : f32
    %add3A_97 = vector.broadcast %add3A_96 : f32 to vector<64x512xf32>
    %add3A_98 = arith.addf %add3A_97, %mul3A_95 : vector<64x512xf32>
    %mul3A_99 = arith.mulf %exp3A_73, %div3A_94 : vector<64x512xf32>
    %add3A_100 = arith.constant 1.000000e-03 : f32
    %add3A_101 = vector.broadcast %add3A_100 : f32 to vector<64x512xf32>
    %add3A_102 = arith.addf %add3A_101, %mul3A_99 : vector<64x512xf32>
    %mul3A_103 = arith.mulf %exp3A_75, %div3A_94 : vector<64x512xf32>
    %add3A_104 = arith.constant 1.000000e-03 : f32
    %add3A_105 = vector.broadcast %add3A_104 : f32 to vector<64x512xf32>
    %add3A_106 = arith.addf %add3A_105, %mul3A_103 : vector<64x512xf32>
    %mul3A_107 = arith.mulf %exp3A_77, %div3A_94 : vector<64x512xf32>
    %add3A_108 = arith.constant 1.000000e-03 : f32
    %add3A_109 = vector.broadcast %add3A_108 : f32 to vector<64x512xf32>
    %add3A_110 = arith.addf %add3A_109, %mul3A_107 : vector<64x512xf32>
    %mul3A_111 = arith.mulf %exp3A_79, %div3A_94 : vector<64x512xf32>
    %add3A_112 = arith.constant 1.000000e-03 : f32
    %add3A_113 = vector.broadcast %add3A_112 : f32 to vector<64x512xf32>
    %add3A_114 = arith.addf %add3A_113, %mul3A_111 : vector<64x512xf32>
    %mul3A_115 = arith.mulf %exp3A_81, %div3A_94 : vector<64x512xf32>
    %add3A_116 = arith.constant 1.000000e-03 : f32
    %add3A_117 = vector.broadcast %add3A_116 : f32 to vector<64x512xf32>
    %add3A_118 = arith.addf %add3A_117, %mul3A_115 : vector<64x512xf32>
    %mul3A_119 = arith.mulf %exp3A_83, %div3A_94 : vector<64x512xf32>
    %add3A_120 = arith.constant 1.000000e-03 : f32
    %add3A_121 = vector.broadcast %add3A_120 : f32 to vector<64x512xf32>
    %add3A_122 = arith.addf %add3A_121, %mul3A_119 : vector<64x512xf32>
    %mul3A_123 = arith.constant 6.000000e+00 : f32
    %mul3A_124 = vector.broadcast %mul3A_123 : f32 to vector<64x512xf32>
    %mul3A_125 = arith.mulf %mul3A_124, %add3A_98 : vector<64x512xf32>
    %add3A_126 = arith.constant -3.000000e+00 : f32
    %add3A_127 = vector.broadcast %add3A_126 : f32 to vector<64x512xf32>
    %add3A_128 = arith.addf %add3A_127, %mul3A_125 : vector<64x512xf32>
    %add3A_129 = arith.addf %add3A_98, %add3A_102 : vector<64x512xf32>
    %mul3A_130 = arith.constant 6.000000e+00 : f32
    %mul3A_131 = vector.broadcast %mul3A_130 : f32 to vector<64x512xf32>
    %mul3A_132 = arith.mulf %mul3A_131, %add3A_129 : vector<64x512xf32>
    %add3A_133 = arith.constant -3.000000e+00 : f32
    %add3A_134 = vector.broadcast %add3A_133 : f32 to vector<64x512xf32>
    %add3A_135 = arith.addf %add3A_134, %mul3A_132 : vector<64x512xf32>
    %add3A_136 = arith.addf %add3A_129, %add3A_106 : vector<64x512xf32>
    %mul3A_137 = arith.constant 6.000000e+00 : f32
    %mul3A_138 = vector.broadcast %mul3A_137 : f32 to vector<64x512xf32>
    %mul3A_139 = arith.mulf %mul3A_138, %add3A_136 : vector<64x512xf32>
    %add3A_140 = arith.constant -3.000000e+00 : f32
    %add3A_141 = vector.broadcast %add3A_140 : f32 to vector<64x512xf32>
    %add3A_142 = arith.addf %add3A_141, %mul3A_139 : vector<64x512xf32>
    %add3A_143 = arith.addf %add3A_136, %add3A_110 : vector<64x512xf32>
    %mul3A_144 = arith.constant 6.000000e+00 : f32
    %mul3A_145 = vector.broadcast %mul3A_144 : f32 to vector<64x512xf32>
    %mul3A_146 = arith.mulf %mul3A_145, %add3A_143 : vector<64x512xf32>
    %add3A_147 = arith.constant -3.000000e+00 : f32
    %add3A_148 = vector.broadcast %add3A_147 : f32 to vector<64x512xf32>
    %add3A_149 = arith.addf %add3A_148, %mul3A_146 : vector<64x512xf32>
    %add3A_150 = arith.addf %add3A_143, %add3A_114 : vector<64x512xf32>
    %mul3A_151 = arith.constant 6.000000e+00 : f32
    %mul3A_152 = vector.broadcast %mul3A_151 : f32 to vector<64x512xf32>
    %mul3A_153 = arith.mulf %mul3A_152, %add3A_150 : vector<64x512xf32>
    %add3A_154 = arith.constant -3.000000e+00 : f32
    %add3A_155 = vector.broadcast %add3A_154 : f32 to vector<64x512xf32>
    %add3A_156 = arith.addf %add3A_155, %mul3A_153 : vector<64x512xf32>
    %add3A_157 = arith.addf %add3A_150, %add3A_118 : vector<64x512xf32>
    %mul3A_158 = arith.constant 6.000000e+00 : f32
    %mul3A_159 = vector.broadcast %mul3A_158 : f32 to vector<64x512xf32>
    %mul3A_160 = arith.mulf %mul3A_159, %add3A_157 : vector<64x512xf32>
    %add3A_161 = arith.constant -3.000000e+00 : f32
    %add3A_162 = vector.broadcast %add3A_161 : f32 to vector<64x512xf32>
    %add3A_163 = arith.addf %add3A_162, %mul3A_160 : vector<64x512xf32>
    %add3A_164 = arith.addf %add3A_157, %add3A_122 : vector<64x512xf32>
    %mul3A_165 = arith.constant 6.000000e+00 : f32
    %mul3A_166 = vector.broadcast %mul3A_165 : f32 to vector<64x512xf32>
    %mul3A_167 = arith.mulf %mul3A_166, %add3A_164 : vector<64x512xf32>
    %add3A_168 = arith.constant -3.000000e+00 : f32
    %add3A_169 = vector.broadcast %add3A_168 : f32 to vector<64x512xf32>
    %add3A_170 = arith.addf %add3A_169, %mul3A_167 : vector<64x512xf32>
    %sub3A_171 = arith.constant -3.000000e+00 : f32
    %sub3A_172 = vector.broadcast %sub3A_171 : f32 to vector<64x512xf32>
    %sub3A_173 = arith.subf %add3A_128, %sub3A_172 : vector<64x512xf32>
    %sub3A_174 = arith.subf %add3A_135, %add3A_128 : vector<64x512xf32>
    %sub3A_175 = arith.subf %add3A_142, %add3A_135 : vector<64x512xf32>
    %sub3A_176 = arith.subf %add3A_149, %add3A_142 : vector<64x512xf32>
    %sub3A_177 = arith.subf %add3A_156, %add3A_149 : vector<64x512xf32>
    %sub3A_178 = arith.subf %add3A_163, %add3A_156 : vector<64x512xf32>
    %sub3A_179 = arith.subf %add3A_170, %add3A_163 : vector<64x512xf32>
    %sub3A_180 = arith.constant 3.000000e+00 : f32
    %sub3A_181 = vector.broadcast %sub3A_180 : f32 to vector<64x512xf32>
    %sub3A_182 = arith.subf %sub3A_181, %add3A_170 : vector<64x512xf32>
    %max3A_183 = arith.maximumf %slice3A_51, %slice3A_52 : vector<64x512xf32>
    %max3A_184 = arith.maximumf %max3A_183, %slice3A_53 : vector<64x512xf32>
    %max3A_185 = arith.maximumf %max3A_184, %slice3A_54 : vector<64x512xf32>
    %max3A_186 = arith.maximumf %max3A_185, %slice3A_55 : vector<64x512xf32>
    %max3A_187 = arith.maximumf %max3A_186, %slice3A_56 : vector<64x512xf32>
    %max3A_188 = arith.maximumf %max3A_187, %slice3A_57 : vector<64x512xf32>
    %max3A_189 = arith.maximumf %max3A_188, %slice3A_58 : vector<64x512xf32>
    %sub3A_190 = arith.subf %slice3A_51, %max3A_189 : vector<64x512xf32>
    %exp3A_191 = math.exp %sub3A_190 : vector<64x512xf32>
    %sub3A_192 = arith.subf %slice3A_52, %max3A_189 : vector<64x512xf32>
    %exp3A_193 = math.exp %sub3A_192 : vector<64x512xf32>
    %sub3A_194 = arith.subf %slice3A_53, %max3A_189 : vector<64x512xf32>
    %exp3A_195 = math.exp %sub3A_194 : vector<64x512xf32>
    %sub3A_196 = arith.subf %slice3A_54, %max3A_189 : vector<64x512xf32>
    %exp3A_197 = math.exp %sub3A_196 : vector<64x512xf32>
    %sub3A_198 = arith.subf %slice3A_55, %max3A_189 : vector<64x512xf32>
    %exp3A_199 = math.exp %sub3A_198 : vector<64x512xf32>
    %sub3A_200 = arith.subf %slice3A_56, %max3A_189 : vector<64x512xf32>
    %exp3A_201 = math.exp %sub3A_200 : vector<64x512xf32>
    %sub3A_202 = arith.subf %slice3A_57, %max3A_189 : vector<64x512xf32>
    %exp3A_203 = math.exp %sub3A_202 : vector<64x512xf32>
    %sub3A_204 = arith.subf %slice3A_58, %max3A_189 : vector<64x512xf32>
    %exp3A_205 = math.exp %sub3A_204 : vector<64x512xf32>
    %add3A_206 = arith.addf %exp3A_191, %exp3A_193 : vector<64x512xf32>
    %add3A_207 = arith.addf %add3A_206, %exp3A_195 : vector<64x512xf32>
    %add3A_208 = arith.addf %add3A_207, %exp3A_197 : vector<64x512xf32>
    %add3A_209 = arith.addf %add3A_208, %exp3A_199 : vector<64x512xf32>
    %add3A_210 = arith.addf %add3A_209, %exp3A_201 : vector<64x512xf32>
    %add3A_211 = arith.addf %add3A_210, %exp3A_203 : vector<64x512xf32>
    %add3A_212 = arith.addf %add3A_211, %exp3A_205 : vector<64x512xf32>
    %div3A_213 = arith.constant 0.991999983 : f32
    %div3A_214 = vector.broadcast %div3A_213 : f32 to vector<64x512xf32>
    %div3A_215 = arith.divf %div3A_214, %add3A_212 : vector<64x512xf32>
    %mul3A_216 = arith.mulf %exp3A_191, %div3A_215 : vector<64x512xf32>
    %add3A_217 = arith.constant 1.000000e-03 : f32
    %add3A_218 = vector.broadcast %add3A_217 : f32 to vector<64x512xf32>
    %add3A_219 = arith.addf %add3A_218, %mul3A_216 : vector<64x512xf32>
    %mul3A_220 = arith.mulf %exp3A_193, %div3A_215 : vector<64x512xf32>
    %add3A_221 = arith.constant 1.000000e-03 : f32
    %add3A_222 = vector.broadcast %add3A_221 : f32 to vector<64x512xf32>
    %add3A_223 = arith.addf %add3A_222, %mul3A_220 : vector<64x512xf32>
    %mul3A_224 = arith.mulf %exp3A_195, %div3A_215 : vector<64x512xf32>
    %add3A_225 = arith.constant 1.000000e-03 : f32
    %add3A_226 = vector.broadcast %add3A_225 : f32 to vector<64x512xf32>
    %add3A_227 = arith.addf %add3A_226, %mul3A_224 : vector<64x512xf32>
    %mul3A_228 = arith.mulf %exp3A_197, %div3A_215 : vector<64x512xf32>
    %add3A_229 = arith.constant 1.000000e-03 : f32
    %add3A_230 = vector.broadcast %add3A_229 : f32 to vector<64x512xf32>
    %add3A_231 = arith.addf %add3A_230, %mul3A_228 : vector<64x512xf32>
    %mul3A_232 = arith.mulf %exp3A_199, %div3A_215 : vector<64x512xf32>
    %add3A_233 = arith.constant 1.000000e-03 : f32
    %add3A_234 = vector.broadcast %add3A_233 : f32 to vector<64x512xf32>
    %add3A_235 = arith.addf %add3A_234, %mul3A_232 : vector<64x512xf32>
    %mul3A_236 = arith.mulf %exp3A_201, %div3A_215 : vector<64x512xf32>
    %add3A_237 = arith.constant 1.000000e-03 : f32
    %add3A_238 = vector.broadcast %add3A_237 : f32 to vector<64x512xf32>
    %add3A_239 = arith.addf %add3A_238, %mul3A_236 : vector<64x512xf32>
    %mul3A_240 = arith.mulf %exp3A_203, %div3A_215 : vector<64x512xf32>
    %add3A_241 = arith.constant 1.000000e-03 : f32
    %add3A_242 = vector.broadcast %add3A_241 : f32 to vector<64x512xf32>
    %add3A_243 = arith.addf %add3A_242, %mul3A_240 : vector<64x512xf32>
    %mul3A_244 = arith.constant 6.000000e+00 : f32
    %mul3A_245 = vector.broadcast %mul3A_244 : f32 to vector<64x512xf32>
    %mul3A_246 = arith.mulf %mul3A_245, %add3A_219 : vector<64x512xf32>
    %add3A_247 = arith.constant -3.000000e+00 : f32
    %add3A_248 = vector.broadcast %add3A_247 : f32 to vector<64x512xf32>
    %add3A_249 = arith.addf %add3A_248, %mul3A_246 : vector<64x512xf32>
    %add3A_250 = arith.addf %add3A_219, %add3A_223 : vector<64x512xf32>
    %mul3A_251 = arith.constant 6.000000e+00 : f32
    %mul3A_252 = vector.broadcast %mul3A_251 : f32 to vector<64x512xf32>
    %mul3A_253 = arith.mulf %mul3A_252, %add3A_250 : vector<64x512xf32>
    %add3A_254 = arith.constant -3.000000e+00 : f32
    %add3A_255 = vector.broadcast %add3A_254 : f32 to vector<64x512xf32>
    %add3A_256 = arith.addf %add3A_255, %mul3A_253 : vector<64x512xf32>
    %add3A_257 = arith.addf %add3A_250, %add3A_227 : vector<64x512xf32>
    %mul3A_258 = arith.constant 6.000000e+00 : f32
    %mul3A_259 = vector.broadcast %mul3A_258 : f32 to vector<64x512xf32>
    %mul3A_260 = arith.mulf %mul3A_259, %add3A_257 : vector<64x512xf32>
    %add3A_261 = arith.constant -3.000000e+00 : f32
    %add3A_262 = vector.broadcast %add3A_261 : f32 to vector<64x512xf32>
    %add3A_263 = arith.addf %add3A_262, %mul3A_260 : vector<64x512xf32>
    %add3A_264 = arith.addf %add3A_257, %add3A_231 : vector<64x512xf32>
    %mul3A_265 = arith.constant 6.000000e+00 : f32
    %mul3A_266 = vector.broadcast %mul3A_265 : f32 to vector<64x512xf32>
    %mul3A_267 = arith.mulf %mul3A_266, %add3A_264 : vector<64x512xf32>
    %add3A_268 = arith.constant -3.000000e+00 : f32
    %add3A_269 = vector.broadcast %add3A_268 : f32 to vector<64x512xf32>
    %add3A_270 = arith.addf %add3A_269, %mul3A_267 : vector<64x512xf32>
    %add3A_271 = arith.addf %add3A_264, %add3A_235 : vector<64x512xf32>
    %mul3A_272 = arith.constant 6.000000e+00 : f32
    %mul3A_273 = vector.broadcast %mul3A_272 : f32 to vector<64x512xf32>
    %mul3A_274 = arith.mulf %mul3A_273, %add3A_271 : vector<64x512xf32>
    %add3A_275 = arith.constant -3.000000e+00 : f32
    %add3A_276 = vector.broadcast %add3A_275 : f32 to vector<64x512xf32>
    %add3A_277 = arith.addf %add3A_276, %mul3A_274 : vector<64x512xf32>
    %add3A_278 = arith.addf %add3A_271, %add3A_239 : vector<64x512xf32>
    %mul3A_279 = arith.constant 6.000000e+00 : f32
    %mul3A_280 = vector.broadcast %mul3A_279 : f32 to vector<64x512xf32>
    %mul3A_281 = arith.mulf %mul3A_280, %add3A_278 : vector<64x512xf32>
    %add3A_282 = arith.constant -3.000000e+00 : f32
    %add3A_283 = vector.broadcast %add3A_282 : f32 to vector<64x512xf32>
    %add3A_284 = arith.addf %add3A_283, %mul3A_281 : vector<64x512xf32>
    %add3A_285 = arith.addf %add3A_278, %add3A_243 : vector<64x512xf32>
    %mul3A_286 = arith.constant 6.000000e+00 : f32
    %mul3A_287 = vector.broadcast %mul3A_286 : f32 to vector<64x512xf32>
    %mul3A_288 = arith.mulf %mul3A_287, %add3A_285 : vector<64x512xf32>
    %add3A_289 = arith.constant -3.000000e+00 : f32
    %add3A_290 = vector.broadcast %add3A_289 : f32 to vector<64x512xf32>
    %add3A_291 = arith.addf %add3A_290, %mul3A_288 : vector<64x512xf32>
    %sub3A_292 = arith.constant -3.000000e+00 : f32
    %sub3A_293 = vector.broadcast %sub3A_292 : f32 to vector<64x512xf32>
    %sub3A_294 = arith.subf %add3A_249, %sub3A_293 : vector<64x512xf32>
    %sub3A_295 = arith.subf %add3A_256, %add3A_249 : vector<64x512xf32>
    %sub3A_296 = arith.subf %add3A_263, %add3A_256 : vector<64x512xf32>
    %sub3A_297 = arith.subf %add3A_270, %add3A_263 : vector<64x512xf32>
    %sub3A_298 = arith.subf %add3A_277, %add3A_270 : vector<64x512xf32>
    %sub3A_299 = arith.subf %add3A_284, %add3A_277 : vector<64x512xf32>
    %sub3A_300 = arith.subf %add3A_291, %add3A_284 : vector<64x512xf32>
    %sub3A_301 = arith.constant 3.000000e+00 : f32
    %sub3A_302 = vector.broadcast %sub3A_301 : f32 to vector<64x512xf32>
    %sub3A_303 = arith.subf %sub3A_302, %add3A_291 : vector<64x512xf32>
    %custom_jvp_call3A = arith.constant 0.000000e+00 : f32
    %max3A_304 = vector.broadcast %custom_jvp_call3A : f32 to vector<64x512xf32>
    %max3A_305 = arith.maximumf %slice3A_59, %max3A_304 : vector<64x512xf32>
    %sub3A_306 = vector.broadcast %custom_jvp_call3A : f32 to vector<64x512xf32>
    %sub3A_307 = arith.subf %slice3A_59, %sub3A_306 : vector<64x512xf32>
    %ne3A = arith.cmpf one, %sub3A_307, %sub3A_307 : vector<64x512xf32>
    %add3A_308 = vector.broadcast %custom_jvp_call3A : f32 to vector<64x512xf32>
    %add3A_309 = arith.addf %slice3A_59, %add3A_308 : vector<64x512xf32>
    %abs3A = math.absf %sub3A_307 : vector<64x512xf32>
    %neg3A = arith.constant 0.000000e+00 : f32
    %neg3A_310 = vector.broadcast %neg3A : f32 to vector<64x512xf32>
    %neg3A_311 = arith.subf %neg3A_310, %abs3A : vector<64x512xf32>
    %exp3A_312 = math.exp %neg3A_311 : vector<64x512xf32>
    %log1p3A = math.log1p %exp3A_312 : vector<64x512xf32>
    %add3A_313 = arith.addf %max3A_305, %log1p3A : vector<64x512xf32>
    %select_n3A = arith.select %ne3A, %add3A_309, %add3A_313 : vector<64x512xi1>, vector<64x512xf32>
    %add3A_314 = arith.constant 1.000000e-03 : f32
    %add3A_315 = vector.broadcast %add3A_314 : f32 to vector<64x512xf32>
    %add3A_316 = arith.addf %add3A_315, %select_n3A : vector<64x512xf32>
    %custom_jvp_call3A_317 = arith.constant 0.000000e+00 : f32
    %max3A_318 = vector.broadcast %custom_jvp_call3A_317 : f32 to vector<64x512xf32>
    %max3A_319 = arith.maximumf %slice3A_60, %max3A_318 : vector<64x512xf32>
    %sub3A_320 = vector.broadcast %custom_jvp_call3A_317 : f32 to vector<64x512xf32>
    %sub3A_321 = arith.subf %slice3A_60, %sub3A_320 : vector<64x512xf32>
    %ne3A_322 = arith.cmpf one, %sub3A_321, %sub3A_321 : vector<64x512xf32>
    %add3A_323 = vector.broadcast %custom_jvp_call3A_317 : f32 to vector<64x512xf32>
    %add3A_324 = arith.addf %slice3A_60, %add3A_323 : vector<64x512xf32>
    %abs3A_325 = math.absf %sub3A_321 : vector<64x512xf32>
    %neg3A_326 = arith.constant 0.000000e+00 : f32
    %neg3A_327 = vector.broadcast %neg3A_326 : f32 to vector<64x512xf32>
    %neg3A_328 = arith.subf %neg3A_327, %abs3A_325 : vector<64x512xf32>
    %exp3A_329 = math.exp %neg3A_328 : vector<64x512xf32>
    %log1p3A_330 = math.log1p %exp3A_329 : vector<64x512xf32>
    %add3A_331 = arith.addf %max3A_319, %log1p3A_330 : vector<64x512xf32>
    %select_n3A_332 = arith.select %ne3A_322, %add3A_324, %add3A_331 : vector<64x512xi1>, vector<64x512xf32>
    %add3A_333 = arith.constant 1.000000e-03 : f32
    %add3A_334 = vector.broadcast %add3A_333 : f32 to vector<64x512xf32>
    %add3A_335 = arith.addf %add3A_334, %select_n3A_332 : vector<64x512xf32>
    %custom_jvp_call3A_336 = arith.constant 0.000000e+00 : f32
    %max3A_337 = vector.broadcast %custom_jvp_call3A_336 : f32 to vector<64x512xf32>
    %max3A_338 = arith.maximumf %slice3A_61, %max3A_337 : vector<64x512xf32>
    %sub3A_339 = vector.broadcast %custom_jvp_call3A_336 : f32 to vector<64x512xf32>
    %sub3A_340 = arith.subf %slice3A_61, %sub3A_339 : vector<64x512xf32>
    %ne3A_341 = arith.cmpf one, %sub3A_340, %sub3A_340 : vector<64x512xf32>
    %add3A_342 = vector.broadcast %custom_jvp_call3A_336 : f32 to vector<64x512xf32>
    %add3A_343 = arith.addf %slice3A_61, %add3A_342 : vector<64x512xf32>
    %abs3A_344 = math.absf %sub3A_340 : vector<64x512xf32>
    %neg3A_345 = arith.constant 0.000000e+00 : f32
    %neg3A_346 = vector.broadcast %neg3A_345 : f32 to vector<64x512xf32>
    %neg3A_347 = arith.subf %neg3A_346, %abs3A_344 : vector<64x512xf32>
    %exp3A_348 = math.exp %neg3A_347 : vector<64x512xf32>
    %log1p3A_349 = math.log1p %exp3A_348 : vector<64x512xf32>
    %add3A_350 = arith.addf %max3A_338, %log1p3A_349 : vector<64x512xf32>
    %select_n3A_351 = arith.select %ne3A_341, %add3A_343, %add3A_350 : vector<64x512xi1>, vector<64x512xf32>
    %add3A_352 = arith.constant 1.000000e-03 : f32
    %add3A_353 = vector.broadcast %add3A_352 : f32 to vector<64x512xf32>
    %add3A_354 = arith.addf %add3A_353, %select_n3A_351 : vector<64x512xf32>
    %custom_jvp_call3A_355 = arith.constant 0.000000e+00 : f32
    %max3A_356 = vector.broadcast %custom_jvp_call3A_355 : f32 to vector<64x512xf32>
    %max3A_357 = arith.maximumf %slice3A_62, %max3A_356 : vector<64x512xf32>
    %sub3A_358 = vector.broadcast %custom_jvp_call3A_355 : f32 to vector<64x512xf32>
    %sub3A_359 = arith.subf %slice3A_62, %sub3A_358 : vector<64x512xf32>
    %ne3A_360 = arith.cmpf one, %sub3A_359, %sub3A_359 : vector<64x512xf32>
    %add3A_361 = vector.broadcast %custom_jvp_call3A_355 : f32 to vector<64x512xf32>
    %add3A_362 = arith.addf %slice3A_62, %add3A_361 : vector<64x512xf32>
    %abs3A_363 = math.absf %sub3A_359 : vector<64x512xf32>
    %neg3A_364 = arith.constant 0.000000e+00 : f32
    %neg3A_365 = vector.broadcast %neg3A_364 : f32 to vector<64x512xf32>
    %neg3A_366 = arith.subf %neg3A_365, %abs3A_363 : vector<64x512xf32>
    %exp3A_367 = math.exp %neg3A_366 : vector<64x512xf32>
    %log1p3A_368 = math.log1p %exp3A_367 : vector<64x512xf32>
    %add3A_369 = arith.addf %max3A_357, %log1p3A_368 : vector<64x512xf32>
    %select_n3A_370 = arith.select %ne3A_360, %add3A_362, %add3A_369 : vector<64x512xi1>, vector<64x512xf32>
    %add3A_371 = arith.constant 1.000000e-03 : f32
    %add3A_372 = vector.broadcast %add3A_371 : f32 to vector<64x512xf32>
    %add3A_373 = arith.addf %add3A_372, %select_n3A_370 : vector<64x512xf32>
    %custom_jvp_call3A_374 = arith.constant 0.000000e+00 : f32
    %max3A_375 = vector.broadcast %custom_jvp_call3A_374 : f32 to vector<64x512xf32>
    %max3A_376 = arith.maximumf %slice3A_63, %max3A_375 : vector<64x512xf32>
    %sub3A_377 = vector.broadcast %custom_jvp_call3A_374 : f32 to vector<64x512xf32>
    %sub3A_378 = arith.subf %slice3A_63, %sub3A_377 : vector<64x512xf32>
    %ne3A_379 = arith.cmpf one, %sub3A_378, %sub3A_378 : vector<64x512xf32>
    %add3A_380 = vector.broadcast %custom_jvp_call3A_374 : f32 to vector<64x512xf32>
    %add3A_381 = arith.addf %slice3A_63, %add3A_380 : vector<64x512xf32>
    %abs3A_382 = math.absf %sub3A_378 : vector<64x512xf32>
    %neg3A_383 = arith.constant 0.000000e+00 : f32
    %neg3A_384 = vector.broadcast %neg3A_383 : f32 to vector<64x512xf32>
    %neg3A_385 = arith.subf %neg3A_384, %abs3A_382 : vector<64x512xf32>
    %exp3A_386 = math.exp %neg3A_385 : vector<64x512xf32>
    %log1p3A_387 = math.log1p %exp3A_386 : vector<64x512xf32>
    %add3A_388 = arith.addf %max3A_376, %log1p3A_387 : vector<64x512xf32>
    %select_n3A_389 = arith.select %ne3A_379, %add3A_381, %add3A_388 : vector<64x512xi1>, vector<64x512xf32>
    %add3A_390 = arith.constant 1.000000e-03 : f32
    %add3A_391 = vector.broadcast %add3A_390 : f32 to vector<64x512xf32>
    %add3A_392 = arith.addf %add3A_391, %select_n3A_389 : vector<64x512xf32>
    %custom_jvp_call3A_393 = arith.constant 0.000000e+00 : f32
    %max3A_394 = vector.broadcast %custom_jvp_call3A_393 : f32 to vector<64x512xf32>
    %max3A_395 = arith.maximumf %slice3A_64, %max3A_394 : vector<64x512xf32>
    %sub3A_396 = vector.broadcast %custom_jvp_call3A_393 : f32 to vector<64x512xf32>
    %sub3A_397 = arith.subf %slice3A_64, %sub3A_396 : vector<64x512xf32>
    %ne3A_398 = arith.cmpf one, %sub3A_397, %sub3A_397 : vector<64x512xf32>
    %add3A_399 = vector.broadcast %custom_jvp_call3A_393 : f32 to vector<64x512xf32>
    %add3A_400 = arith.addf %slice3A_64, %add3A_399 : vector<64x512xf32>
    %abs3A_401 = math.absf %sub3A_397 : vector<64x512xf32>
    %neg3A_402 = arith.constant 0.000000e+00 : f32
    %neg3A_403 = vector.broadcast %neg3A_402 : f32 to vector<64x512xf32>
    %neg3A_404 = arith.subf %neg3A_403, %abs3A_401 : vector<64x512xf32>
    %exp3A_405 = math.exp %neg3A_404 : vector<64x512xf32>
    %log1p3A_406 = math.log1p %exp3A_405 : vector<64x512xf32>
    %add3A_407 = arith.addf %max3A_395, %log1p3A_406 : vector<64x512xf32>
    %select_n3A_408 = arith.select %ne3A_398, %add3A_400, %add3A_407 : vector<64x512xi1>, vector<64x512xf32>
    %add3A_409 = arith.constant 1.000000e-03 : f32
    %add3A_410 = vector.broadcast %add3A_409 : f32 to vector<64x512xf32>
    %add3A_411 = arith.addf %add3A_410, %select_n3A_408 : vector<64x512xf32>
    %custom_jvp_call3A_412 = arith.constant 0.000000e+00 : f32
    %max3A_413 = vector.broadcast %custom_jvp_call3A_412 : f32 to vector<64x512xf32>
    %max3A_414 = arith.maximumf %slice3A_65, %max3A_413 : vector<64x512xf32>
    %sub3A_415 = vector.broadcast %custom_jvp_call3A_412 : f32 to vector<64x512xf32>
    %sub3A_416 = arith.subf %slice3A_65, %sub3A_415 : vector<64x512xf32>
    %ne3A_417 = arith.cmpf one, %sub3A_416, %sub3A_416 : vector<64x512xf32>
    %add3A_418 = vector.broadcast %custom_jvp_call3A_412 : f32 to vector<64x512xf32>
    %add3A_419 = arith.addf %slice3A_65, %add3A_418 : vector<64x512xf32>
    %abs3A_420 = math.absf %sub3A_416 : vector<64x512xf32>
    %neg3A_421 = arith.constant 0.000000e+00 : f32
    %neg3A_422 = vector.broadcast %neg3A_421 : f32 to vector<64x512xf32>
    %neg3A_423 = arith.subf %neg3A_422, %abs3A_420 : vector<64x512xf32>
    %exp3A_424 = math.exp %neg3A_423 : vector<64x512xf32>
    %log1p3A_425 = math.log1p %exp3A_424 : vector<64x512xf32>
    %add3A_426 = arith.addf %max3A_414, %log1p3A_425 : vector<64x512xf32>
    %select_n3A_427 = arith.select %ne3A_417, %add3A_419, %add3A_426 : vector<64x512xi1>, vector<64x512xf32>
    %add3A_428 = arith.constant 1.000000e-03 : f32
    %add3A_429 = vector.broadcast %add3A_428 : f32 to vector<64x512xf32>
    %add3A_430 = arith.addf %add3A_429, %select_n3A_427 : vector<64x512xf32>
    %ge3A = arith.constant -3.000000e+00 : f32
    %ge3A_431 = vector.broadcast %ge3A : f32 to vector<64x512xf32>
    %ge3A_432 = arith.cmpf oge, %slice3A_2, %ge3A_431 : vector<64x512xf32>
    %jit3A = arith.constant 1 : i32
    %jit3A_433 = arith.constant 0 : i32
    %broadcast_in_dim3A = vector.broadcast %jit3A : i32 to vector<64x512xi32>
    %broadcast_in_dim3A_434 = vector.broadcast %jit3A_433 : i32 to vector<64x512xi32>
    %select_n3A_435 = arith.select %ge3A_432, %broadcast_in_dim3A, %broadcast_in_dim3A_434 : vector<64x512xi1>, vector<64x512xi32>
    %ge3A_436 = arith.cmpf oge, %slice3A_2, %add3A_128 : vector<64x512xf32>
    %jit3A_437 = arith.constant 1 : i32
    %jit3A_438 = arith.constant 0 : i32
    %broadcast_in_dim3A_439 = vector.broadcast %jit3A_437 : i32 to vector<64x512xi32>
    %broadcast_in_dim3A_440 = vector.broadcast %jit3A_438 : i32 to vector<64x512xi32>
    %select_n3A_441 = arith.select %ge3A_436, %broadcast_in_dim3A_439, %broadcast_in_dim3A_440 : vector<64x512xi1>, vector<64x512xi32>
    %add3A_442 = arith.addi %select_n3A_435, %select_n3A_441 : vector<64x512xi32>
    %ge3A_443 = arith.cmpf oge, %slice3A_2, %add3A_135 : vector<64x512xf32>
    %jit3A_444 = arith.constant 1 : i32
    %jit3A_445 = arith.constant 0 : i32
    %broadcast_in_dim3A_446 = vector.broadcast %jit3A_444 : i32 to vector<64x512xi32>
    %broadcast_in_dim3A_447 = vector.broadcast %jit3A_445 : i32 to vector<64x512xi32>
    %select_n3A_448 = arith.select %ge3A_443, %broadcast_in_dim3A_446, %broadcast_in_dim3A_447 : vector<64x512xi1>, vector<64x512xi32>
    %add3A_449 = arith.addi %add3A_442, %select_n3A_448 : vector<64x512xi32>
    %ge3A_450 = arith.cmpf oge, %slice3A_2, %add3A_142 : vector<64x512xf32>
    %jit3A_451 = arith.constant 1 : i32
    %jit3A_452 = arith.constant 0 : i32
    %broadcast_in_dim3A_453 = vector.broadcast %jit3A_451 : i32 to vector<64x512xi32>
    %broadcast_in_dim3A_454 = vector.broadcast %jit3A_452 : i32 to vector<64x512xi32>
    %select_n3A_455 = arith.select %ge3A_450, %broadcast_in_dim3A_453, %broadcast_in_dim3A_454 : vector<64x512xi1>, vector<64x512xi32>
    %add3A_456 = arith.addi %add3A_449, %select_n3A_455 : vector<64x512xi32>
    %ge3A_457 = arith.cmpf oge, %slice3A_2, %add3A_149 : vector<64x512xf32>
    %jit3A_458 = arith.constant 1 : i32
    %jit3A_459 = arith.constant 0 : i32
    %broadcast_in_dim3A_460 = vector.broadcast %jit3A_458 : i32 to vector<64x512xi32>
    %broadcast_in_dim3A_461 = vector.broadcast %jit3A_459 : i32 to vector<64x512xi32>
    %select_n3A_462 = arith.select %ge3A_457, %broadcast_in_dim3A_460, %broadcast_in_dim3A_461 : vector<64x512xi1>, vector<64x512xi32>
    %add3A_463 = arith.addi %add3A_456, %select_n3A_462 : vector<64x512xi32>
    %ge3A_464 = arith.cmpf oge, %slice3A_2, %add3A_156 : vector<64x512xf32>
    %jit3A_465 = arith.constant 1 : i32
    %jit3A_466 = arith.constant 0 : i32
    %broadcast_in_dim3A_467 = vector.broadcast %jit3A_465 : i32 to vector<64x512xi32>
    %broadcast_in_dim3A_468 = vector.broadcast %jit3A_466 : i32 to vector<64x512xi32>
    %select_n3A_469 = arith.select %ge3A_464, %broadcast_in_dim3A_467, %broadcast_in_dim3A_468 : vector<64x512xi1>, vector<64x512xi32>
    %add3A_470 = arith.addi %add3A_463, %select_n3A_469 : vector<64x512xi32>
    %ge3A_471 = arith.cmpf oge, %slice3A_2, %add3A_163 : vector<64x512xf32>
    %jit3A_472 = arith.constant 1 : i32
    %jit3A_473 = arith.constant 0 : i32
    %broadcast_in_dim3A_474 = vector.broadcast %jit3A_472 : i32 to vector<64x512xi32>
    %broadcast_in_dim3A_475 = vector.broadcast %jit3A_473 : i32 to vector<64x512xi32>
    %select_n3A_476 = arith.select %ge3A_471, %broadcast_in_dim3A_474, %broadcast_in_dim3A_475 : vector<64x512xi1>, vector<64x512xi32>
    %add3A_477 = arith.addi %add3A_470, %select_n3A_476 : vector<64x512xi32>
    %ge3A_478 = arith.cmpf oge, %slice3A_2, %add3A_170 : vector<64x512xf32>
    %jit3A_479 = arith.constant 1 : i32
    %jit3A_480 = arith.constant 0 : i32
    %broadcast_in_dim3A_481 = vector.broadcast %jit3A_479 : i32 to vector<64x512xi32>
    %broadcast_in_dim3A_482 = vector.broadcast %jit3A_480 : i32 to vector<64x512xi32>
    %select_n3A_483 = arith.select %ge3A_478, %broadcast_in_dim3A_481, %broadcast_in_dim3A_482 : vector<64x512xi1>, vector<64x512xi32>
    %add3A_484 = arith.addi %add3A_477, %select_n3A_483 : vector<64x512xi32>
    %ge3A_485 = arith.constant 3.00000095 : f32
    %ge3A_486 = vector.broadcast %ge3A_485 : f32 to vector<64x512xf32>
    %ge3A_487 = arith.cmpf oge, %slice3A_2, %ge3A_486 : vector<64x512xf32>
    %jit3A_488 = arith.constant 1 : i32
    %jit3A_489 = arith.constant 0 : i32
    %broadcast_in_dim3A_490 = vector.broadcast %jit3A_488 : i32 to vector<64x512xi32>
    %broadcast_in_dim3A_491 = vector.broadcast %jit3A_489 : i32 to vector<64x512xi32>
    %select_n3A_492 = arith.select %ge3A_487, %broadcast_in_dim3A_490, %broadcast_in_dim3A_491 : vector<64x512xi1>, vector<64x512xi32>
    %add3A_493 = arith.addi %add3A_484, %select_n3A_492 : vector<64x512xi32>
    %sub3A_494 = arith.constant 1 : i32
    %sub3A_495 = vector.broadcast %sub3A_494 : i32 to vector<64x512xi32>
    %sub3A_496 = arith.subi %add3A_493, %sub3A_495 : vector<64x512xi32>
    %jit3A_497 = arith.constant 0 : i32
    %jit3A_498 = arith.constant 7 : i32
    %max3A_499 = vector.broadcast %jit3A_497 : i32 to vector<64x512xi32>
    %max3A_500 = arith.maxsi %max3A_499, %sub3A_496 : vector<64x512xi32>
    %min3A = vector.broadcast %jit3A_498 : i32 to vector<64x512xi32>
    %min3A_501 = arith.minsi %min3A, %max3A_500 : vector<64x512xi32>
    %broadcast_in_dim3A_502 = arith.constant -3.000000e+00 : f32
    %broadcast_in_dim3A_503 = vector.broadcast %broadcast_in_dim3A_502 : f32 to vector<64x512xf32>
    %broadcast_in_dim3A_504 = arith.constant -3.000000e+00 : f32
    %broadcast_in_dim3A_505 = vector.broadcast %broadcast_in_dim3A_504 : f32 to vector<64x512xf32>
    %broadcast_in_dim3A_506 = arith.constant 1.000000e+00 : f32
    %broadcast_in_dim3A_507 = vector.broadcast %broadcast_in_dim3A_506 : f32 to vector<64x512xf32>
    %eq3A = arith.constant 1 : i32
    %eq3A_508 = vector.broadcast %eq3A : i32 to vector<64x512xi32>
    %eq3A_509 = arith.cmpi eq, %min3A_501, %eq3A_508 : vector<64x512xi32>
    %select_n3A_510 = arith.select %eq3A_509, %add3A_128, %broadcast_in_dim3A_503 : vector<64x512xi1>, vector<64x512xf32>
    %select_n3A_511 = arith.select %eq3A_509, %sub3A_174, %sub3A_173 : vector<64x512xi1>, vector<64x512xf32>
    %select_n3A_512 = arith.select %eq3A_509, %add3A_249, %broadcast_in_dim3A_505 : vector<64x512xi1>, vector<64x512xf32>
    %select_n3A_513 = arith.select %eq3A_509, %sub3A_295, %sub3A_294 : vector<64x512xi1>, vector<64x512xf32>
    %select_n3A_514 = arith.select %eq3A_509, %add3A_316, %broadcast_in_dim3A_507 : vector<64x512xi1>, vector<64x512xf32>
    %select_n3A_515 = arith.select %eq3A_509, %add3A_335, %add3A_316 : vector<64x512xi1>, vector<64x512xf32>
    %eq3A_516 = arith.constant 2 : i32
    %eq3A_517 = vector.broadcast %eq3A_516 : i32 to vector<64x512xi32>
    %eq3A_518 = arith.cmpi eq, %min3A_501, %eq3A_517 : vector<64x512xi32>
    %select_n3A_519 = arith.select %eq3A_518, %add3A_135, %select_n3A_510 : vector<64x512xi1>, vector<64x512xf32>
    %select_n3A_520 = arith.select %eq3A_518, %sub3A_175, %select_n3A_511 : vector<64x512xi1>, vector<64x512xf32>
    %select_n3A_521 = arith.select %eq3A_518, %add3A_256, %select_n3A_512 : vector<64x512xi1>, vector<64x512xf32>
    %select_n3A_522 = arith.select %eq3A_518, %sub3A_296, %select_n3A_513 : vector<64x512xi1>, vector<64x512xf32>
    %select_n3A_523 = arith.select %eq3A_518, %add3A_335, %select_n3A_514 : vector<64x512xi1>, vector<64x512xf32>
    %select_n3A_524 = arith.select %eq3A_518, %add3A_354, %select_n3A_515 : vector<64x512xi1>, vector<64x512xf32>
    %eq3A_525 = arith.constant 3 : i32
    %eq3A_526 = vector.broadcast %eq3A_525 : i32 to vector<64x512xi32>
    %eq3A_527 = arith.cmpi eq, %min3A_501, %eq3A_526 : vector<64x512xi32>
    %select_n3A_528 = arith.select %eq3A_527, %add3A_142, %select_n3A_519 : vector<64x512xi1>, vector<64x512xf32>
    %select_n3A_529 = arith.select %eq3A_527, %sub3A_176, %select_n3A_520 : vector<64x512xi1>, vector<64x512xf32>
    %select_n3A_530 = arith.select %eq3A_527, %add3A_263, %select_n3A_521 : vector<64x512xi1>, vector<64x512xf32>
    %select_n3A_531 = arith.select %eq3A_527, %sub3A_297, %select_n3A_522 : vector<64x512xi1>, vector<64x512xf32>
    %select_n3A_532 = arith.select %eq3A_527, %add3A_354, %select_n3A_523 : vector<64x512xi1>, vector<64x512xf32>
    %select_n3A_533 = arith.select %eq3A_527, %add3A_373, %select_n3A_524 : vector<64x512xi1>, vector<64x512xf32>
    %eq3A_534 = arith.constant 4 : i32
    %eq3A_535 = vector.broadcast %eq3A_534 : i32 to vector<64x512xi32>
    %eq3A_536 = arith.cmpi eq, %min3A_501, %eq3A_535 : vector<64x512xi32>
    %select_n3A_537 = arith.select %eq3A_536, %add3A_149, %select_n3A_528 : vector<64x512xi1>, vector<64x512xf32>
    %select_n3A_538 = arith.select %eq3A_536, %sub3A_177, %select_n3A_529 : vector<64x512xi1>, vector<64x512xf32>
    %select_n3A_539 = arith.select %eq3A_536, %add3A_270, %select_n3A_530 : vector<64x512xi1>, vector<64x512xf32>
    %select_n3A_540 = arith.select %eq3A_536, %sub3A_298, %select_n3A_531 : vector<64x512xi1>, vector<64x512xf32>
    %select_n3A_541 = arith.select %eq3A_536, %add3A_373, %select_n3A_532 : vector<64x512xi1>, vector<64x512xf32>
    %select_n3A_542 = arith.select %eq3A_536, %add3A_392, %select_n3A_533 : vector<64x512xi1>, vector<64x512xf32>
    %eq3A_543 = arith.constant 5 : i32
    %eq3A_544 = vector.broadcast %eq3A_543 : i32 to vector<64x512xi32>
    %eq3A_545 = arith.cmpi eq, %min3A_501, %eq3A_544 : vector<64x512xi32>
    %select_n3A_546 = arith.select %eq3A_545, %add3A_156, %select_n3A_537 : vector<64x512xi1>, vector<64x512xf32>
    %select_n3A_547 = arith.select %eq3A_545, %sub3A_178, %select_n3A_538 : vector<64x512xi1>, vector<64x512xf32>
    %select_n3A_548 = arith.select %eq3A_545, %add3A_277, %select_n3A_539 : vector<64x512xi1>, vector<64x512xf32>
    %select_n3A_549 = arith.select %eq3A_545, %sub3A_299, %select_n3A_540 : vector<64x512xi1>, vector<64x512xf32>
    %select_n3A_550 = arith.select %eq3A_545, %add3A_392, %select_n3A_541 : vector<64x512xi1>, vector<64x512xf32>
    %select_n3A_551 = arith.select %eq3A_545, %add3A_411, %select_n3A_542 : vector<64x512xi1>, vector<64x512xf32>
    %eq3A_552 = arith.constant 6 : i32
    %eq3A_553 = vector.broadcast %eq3A_552 : i32 to vector<64x512xi32>
    %eq3A_554 = arith.cmpi eq, %min3A_501, %eq3A_553 : vector<64x512xi32>
    %select_n3A_555 = arith.select %eq3A_554, %add3A_163, %select_n3A_546 : vector<64x512xi1>, vector<64x512xf32>
    %select_n3A_556 = arith.select %eq3A_554, %sub3A_179, %select_n3A_547 : vector<64x512xi1>, vector<64x512xf32>
    %select_n3A_557 = arith.select %eq3A_554, %add3A_284, %select_n3A_548 : vector<64x512xi1>, vector<64x512xf32>
    %select_n3A_558 = arith.select %eq3A_554, %sub3A_300, %select_n3A_549 : vector<64x512xi1>, vector<64x512xf32>
    %select_n3A_559 = arith.select %eq3A_554, %add3A_411, %select_n3A_550 : vector<64x512xi1>, vector<64x512xf32>
    %select_n3A_560 = arith.select %eq3A_554, %add3A_430, %select_n3A_551 : vector<64x512xi1>, vector<64x512xf32>
    %eq3A_561 = arith.constant 7 : i32
    %eq3A_562 = vector.broadcast %eq3A_561 : i32 to vector<64x512xi32>
    %eq3A_563 = arith.cmpi eq, %min3A_501, %eq3A_562 : vector<64x512xi32>
    %select_n3A_564 = arith.select %eq3A_563, %add3A_170, %select_n3A_555 : vector<64x512xi1>, vector<64x512xf32>
    %select_n3A_565 = arith.select %eq3A_563, %sub3A_182, %select_n3A_556 : vector<64x512xi1>, vector<64x512xf32>
    %select_n3A_566 = arith.select %eq3A_563, %add3A_291, %select_n3A_557 : vector<64x512xi1>, vector<64x512xf32>
    %select_n3A_567 = arith.select %eq3A_563, %sub3A_303, %select_n3A_558 : vector<64x512xi1>, vector<64x512xf32>
    %select_n3A_568 = arith.select %eq3A_563, %add3A_430, %select_n3A_559 : vector<64x512xi1>, vector<64x512xf32>
    %jit3A_569 = arith.constant 1.000000e+00 : f32
    %broadcast_in_dim3A_570 = vector.broadcast %jit3A_569 : f32 to vector<64x512xf32>
    %select_n3A_571 = arith.select %eq3A_563, %broadcast_in_dim3A_570, %select_n3A_560 : vector<64x512xi1>, vector<64x512xf32>
    %div3A_572 = arith.divf %select_n3A_567, %select_n3A_565 : vector<64x512xf32>
    %sub3A_573 = arith.subf %slice3A_2, %select_n3A_564 : vector<64x512xf32>
    %div3A_574 = arith.divf %sub3A_573, %select_n3A_565 : vector<64x512xf32>
    %sub3A_575 = arith.constant 1.000000e+00 : f32
    %sub3A_576 = vector.broadcast %sub3A_575 : f32 to vector<64x512xf32>
    %sub3A_577 = arith.subf %sub3A_576, %div3A_574 : vector<64x512xf32>
    %mul3A_578 = arith.mulf %div3A_574, %sub3A_577 : vector<64x512xf32>
    %mul3A_579 = arith.mulf %div3A_574, %div3A_574 : vector<64x512xf32>
    %mul3A_580 = arith.mulf %div3A_572, %mul3A_579 : vector<64x512xf32>
    %mul3A_581 = arith.mulf %select_n3A_568, %mul3A_578 : vector<64x512xf32>
    %add3A_582 = arith.addf %mul3A_580, %mul3A_581 : vector<64x512xf32>
    %mul3A_583 = arith.mulf %select_n3A_567, %add3A_582 : vector<64x512xf32>
    %add3A_584 = arith.addf %select_n3A_568, %select_n3A_571 : vector<64x512xf32>
    %mul3A_585 = arith.constant 2.000000e+00 : f32
    %mul3A_586 = vector.broadcast %mul3A_585 : f32 to vector<64x512xf32>
    %mul3A_587 = arith.mulf %mul3A_586, %div3A_572 : vector<64x512xf32>
    %sub3A_588 = arith.subf %add3A_584, %mul3A_587 : vector<64x512xf32>
    %mul3A_589 = arith.mulf %sub3A_588, %mul3A_578 : vector<64x512xf32>
    %add3A_590 = arith.addf %div3A_572, %mul3A_589 : vector<64x512xf32>
    %div3A_591 = arith.divf %mul3A_583, %add3A_590 : vector<64x512xf32>
    %add3A_592 = arith.addf %select_n3A_566, %div3A_591 : vector<64x512xf32>
    %mul3A_593 = arith.mulf %div3A_572, %div3A_572 : vector<64x512xf32>
    %mul3A_594 = arith.mulf %select_n3A_571, %mul3A_579 : vector<64x512xf32>
    %mul3A_595 = arith.constant 2.000000e+00 : f32
    %mul3A_596 = vector.broadcast %mul3A_595 : f32 to vector<64x512xf32>
    %mul3A_597 = arith.mulf %mul3A_596, %div3A_572 : vector<64x512xf32>
    %mul3A_598 = arith.mulf %mul3A_597, %mul3A_578 : vector<64x512xf32>
    %add3A_599 = arith.addf %mul3A_594, %mul3A_598 : vector<64x512xf32>
    %sub3A_600 = arith.constant 1.000000e+00 : f32
    %sub3A_601 = vector.broadcast %sub3A_600 : f32 to vector<64x512xf32>
    %sub3A_602 = arith.subf %sub3A_601, %div3A_574 : vector<64x512xf32>
    %mul3A_603 = arith.mulf %select_n3A_568, %sub3A_602 : vector<64x512xf32>
    %sub3A_604 = arith.constant 1.000000e+00 : f32
    %sub3A_605 = vector.broadcast %sub3A_604 : f32 to vector<64x512xf32>
    %sub3A_606 = arith.subf %sub3A_605, %div3A_574 : vector<64x512xf32>
    %mul3A_607 = arith.mulf %mul3A_603, %sub3A_606 : vector<64x512xf32>
    %add3A_608 = arith.addf %add3A_599, %mul3A_607 : vector<64x512xf32>
    %mul3A_609 = arith.mulf %mul3A_593, %add3A_608 : vector<64x512xf32>
    %log3A = math.log %mul3A_609 : vector<64x512xf32>
    %log3A_610 = math.log %add3A_590 : vector<64x512xf32>
    %mul3A_611 = arith.constant 2.000000e+00 : f32
    %mul3A_612 = vector.broadcast %mul3A_611 : f32 to vector<64x512xf32>
    %mul3A_613 = arith.mulf %mul3A_612, %log3A_610 : vector<64x512xf32>
    %sub3A_614 = arith.subf %log3A, %mul3A_613 : vector<64x512xf32>
    %ge3A_615 = arith.constant -3.000000e+00 : f32
    %ge3A_616 = vector.broadcast %ge3A_615 : f32 to vector<64x512xf32>
    %ge3A_617 = arith.cmpf oge, %slice3A_2, %ge3A_616 : vector<64x512xf32>
    %le3A = arith.constant 3.000000e+00 : f32
    %le3A_618 = vector.broadcast %le3A : f32 to vector<64x512xf32>
    %le3A_619 = arith.cmpf ole, %slice3A_2, %le3A_618 : vector<64x512xf32>
    %and3A = arith.andi %ge3A_617, %le3A_619 : vector<64x512xi1>
    %select_n3A_620 = arith.select %and3A, %add3A_592, %slice3A_2 : vector<64x512xi1>, vector<64x512xf32>
    %jit3A_621 = arith.constant 0.000000e+00 : f32
    %broadcast_in_dim3A_622 = vector.broadcast %jit3A_621 : f32 to vector<64x512xf32>
    %select_n3A_623 = arith.select %and3A, %sub3A_614, %broadcast_in_dim3A_622 : vector<64x512xi1>, vector<64x512xf32>
    %get3A_624 = arith.constant 0 : index
    %get3A_625 = arith.constant 0 : index
    %get3A_626 = vector.load %arg8[%get3A_624, %get3A_625] : memref<256x64xf32, #tpu.memory_space<vmem>>, vector<256x64xf32>
    %get3A_627 = arith.constant 0 : index
    %get3A_628 = arith.constant 0 : index
    %get3A_629 = vector.load %arg9[%get3A_627, %get3A_628] : memref<256x1xf32, #tpu.memory_space<vmem>>, vector<256x1xf32>
    %get3A_630 = arith.constant 0 : index
    %get3A_631 = arith.constant 0 : index
    %get3A_632 = vector.load %arg10[%get3A_630, %get3A_631] : memref<256x256xf32, #tpu.memory_space<vmem>>, vector<256x256xf32>
    %get3A_633 = arith.constant 0 : index
    %get3A_634 = arith.constant 0 : index
    %get3A_635 = vector.load %arg11[%get3A_633, %get3A_634] : memref<256x1xf32, #tpu.memory_space<vmem>>, vector<256x1xf32>
    %get3A_636 = arith.constant 0 : index
    %get3A_637 = arith.constant 0 : index
    %get3A_638 = vector.load %arg12[%get3A_636, %get3A_637] : memref<1472x256xf32, #tpu.memory_space<vmem>>, vector<1472x256xf32>
    %get3A_639 = arith.constant 0 : index
    %get3A_640 = arith.constant 0 : index
    %get3A_641 = vector.load %arg13[%get3A_639, %get3A_640] : memref<1472x1xf32, #tpu.memory_space<vmem>>, vector<1472x1xf32>
    %dot_general3A_642 = arith.constant dense<0.000000e+00> : vector<256x512xf32>
    %dot_general3A_643 = tpu.matmul %get3A_626, %select_n3A_620, %dot_general3A_642 {dimension_numbers = #tpu.dot_dimension_numbers<[1], [0], [0], [1], [0, 0, 1, 1], [], []>, transpose_lhs_hint = false} : vector<256x64xf32>, vector<64x512xf32>, vector<256x512xf32> -> vector<256x512xf32>
    %add3A_644 = vector.broadcast %get3A_629 : vector<256x1xf32> to vector<256x512xf32>
    %add3A_645 = arith.addf %dot_general3A_643, %add3A_644 : vector<256x512xf32>
    %logistic3A_646 = arith.negf %add3A_645 : vector<256x512xf32>
    %logistic3A_647 = math.exp %logistic3A_646 : vector<256x512xf32>
    %logistic3A_648 = arith.constant 1.000000e+00 : f32
    %logistic3A_649 = vector.broadcast %logistic3A_648 : f32 to vector<256x512xf32>
    %logistic3A_650 = arith.addf %logistic3A_649, %logistic3A_647 : vector<256x512xf32>
    %logistic3A_651 = arith.divf %logistic3A_649, %logistic3A_650 : vector<256x512xf32>
    %mul3A_652 = arith.mulf %add3A_645, %logistic3A_651 : vector<256x512xf32>
    %dot_general3A_653 = arith.constant dense<0.000000e+00> : vector<256x512xf32>
    %dot_general3A_654 = tpu.matmul %get3A_632, %mul3A_652, %dot_general3A_653 {dimension_numbers = #tpu.dot_dimension_numbers<[1], [0], [0], [1], [0, 0, 1, 1], [], []>, transpose_lhs_hint = false} : vector<256x256xf32>, vector<256x512xf32>, vector<256x512xf32> -> vector<256x512xf32>
    %add3A_655 = vector.broadcast %get3A_635 : vector<256x1xf32> to vector<256x512xf32>
    %add3A_656 = arith.addf %dot_general3A_654, %add3A_655 : vector<256x512xf32>
    %logistic3A_657 = arith.negf %add3A_656 : vector<256x512xf32>
    %logistic3A_658 = math.exp %logistic3A_657 : vector<256x512xf32>
    %logistic3A_659 = arith.constant 1.000000e+00 : f32
    %logistic3A_660 = vector.broadcast %logistic3A_659 : f32 to vector<256x512xf32>
    %logistic3A_661 = arith.addf %logistic3A_660, %logistic3A_658 : vector<256x512xf32>
    %logistic3A_662 = arith.divf %logistic3A_660, %logistic3A_661 : vector<256x512xf32>
    %mul3A_663 = arith.mulf %add3A_656, %logistic3A_662 : vector<256x512xf32>
    %dot_general3A_664 = arith.constant dense<0.000000e+00> : vector<1472x512xf32>
    %dot_general3A_665 = tpu.matmul %get3A_638, %mul3A_663, %dot_general3A_664 {dimension_numbers = #tpu.dot_dimension_numbers<[1], [0], [0], [1], [0, 0, 1, 1], [], []>, transpose_lhs_hint = false} : vector<1472x256xf32>, vector<256x512xf32>, vector<1472x512xf32> -> vector<1472x512xf32>
    %add3A_666 = vector.broadcast %get3A_641 : vector<1472x1xf32> to vector<1472x512xf32>
    %add3A_667 = arith.addf %dot_general3A_665, %add3A_666 : vector<1472x512xf32>
    %slice3A_668 = vector.extract_strided_slice %add3A_667 {offsets = [0, 0], sizes = [64, 512], strides = [1, 1]} : vector<1472x512xf32> to vector<64x512xf32>
    %slice3A_669 = vector.extract_strided_slice %add3A_667 {offsets = [64, 0], sizes = [64, 512], strides = [1, 1]} : vector<1472x512xf32> to vector<64x512xf32>
    %slice3A_670 = vector.extract_strided_slice %add3A_667 {offsets = [128, 0], sizes = [64, 512], strides = [1, 1]} : vector<1472x512xf32> to vector<64x512xf32>
    %slice3A_671 = vector.extract_strided_slice %add3A_667 {offsets = [192, 0], sizes = [64, 512], strides = [1, 1]} : vector<1472x512xf32> to vector<64x512xf32>
    %slice3A_672 = vector.extract_strided_slice %add3A_667 {offsets = [256, 0], sizes = [64, 512], strides = [1, 1]} : vector<1472x512xf32> to vector<64x512xf32>
    %slice3A_673 = vector.extract_strided_slice %add3A_667 {offsets = [320, 0], sizes = [64, 512], strides = [1, 1]} : vector<1472x512xf32> to vector<64x512xf32>
    %slice3A_674 = vector.extract_strided_slice %add3A_667 {offsets = [384, 0], sizes = [64, 512], strides = [1, 1]} : vector<1472x512xf32> to vector<64x512xf32>
    %slice3A_675 = vector.extract_strided_slice %add3A_667 {offsets = [448, 0], sizes = [64, 512], strides = [1, 1]} : vector<1472x512xf32> to vector<64x512xf32>
    %slice3A_676 = vector.extract_strided_slice %add3A_667 {offsets = [512, 0], sizes = [64, 512], strides = [1, 1]} : vector<1472x512xf32> to vector<64x512xf32>
    %slice3A_677 = vector.extract_strided_slice %add3A_667 {offsets = [576, 0], sizes = [64, 512], strides = [1, 1]} : vector<1472x512xf32> to vector<64x512xf32>
    %slice3A_678 = vector.extract_strided_slice %add3A_667 {offsets = [640, 0], sizes = [64, 512], strides = [1, 1]} : vector<1472x512xf32> to vector<64x512xf32>
    %slice3A_679 = vector.extract_strided_slice %add3A_667 {offsets = [704, 0], sizes = [64, 512], strides = [1, 1]} : vector<1472x512xf32> to vector<64x512xf32>
    %slice3A_680 = vector.extract_strided_slice %add3A_667 {offsets = [768, 0], sizes = [64, 512], strides = [1, 1]} : vector<1472x512xf32> to vector<64x512xf32>
    %slice3A_681 = vector.extract_strided_slice %add3A_667 {offsets = [832, 0], sizes = [64, 512], strides = [1, 1]} : vector<1472x512xf32> to vector<64x512xf32>
    %slice3A_682 = vector.extract_strided_slice %add3A_667 {offsets = [896, 0], sizes = [64, 512], strides = [1, 1]} : vector<1472x512xf32> to vector<64x512xf32>
    %slice3A_683 = vector.extract_strided_slice %add3A_667 {offsets = [960, 0], sizes = [64, 512], strides = [1, 1]} : vector<1472x512xf32> to vector<64x512xf32>
    %slice3A_684 = vector.extract_strided_slice %add3A_667 {offsets = [1024, 0], sizes = [64, 512], strides = [1, 1]} : vector<1472x512xf32> to vector<64x512xf32>
    %slice3A_685 = vector.extract_strided_slice %add3A_667 {offsets = [1088, 0], sizes = [64, 512], strides = [1, 1]} : vector<1472x512xf32> to vector<64x512xf32>
    %slice3A_686 = vector.extract_strided_slice %add3A_667 {offsets = [1152, 0], sizes = [64, 512], strides = [1, 1]} : vector<1472x512xf32> to vector<64x512xf32>
    %slice3A_687 = vector.extract_strided_slice %add3A_667 {offsets = [1216, 0], sizes = [64, 512], strides = [1, 1]} : vector<1472x512xf32> to vector<64x512xf32>
    %slice3A_688 = vector.extract_strided_slice %add3A_667 {offsets = [1280, 0], sizes = [64, 512], strides = [1, 1]} : vector<1472x512xf32> to vector<64x512xf32>
    %slice3A_689 = vector.extract_strided_slice %add3A_667 {offsets = [1344, 0], sizes = [64, 512], strides = [1, 1]} : vector<1472x512xf32> to vector<64x512xf32>
    %slice3A_690 = vector.extract_strided_slice %add3A_667 {offsets = [1408, 0], sizes = [64, 512], strides = [1, 1]} : vector<1472x512xf32> to vector<64x512xf32>
    %max3A_691 = arith.maximumf %slice3A_668, %slice3A_669 : vector<64x512xf32>
    %max3A_692 = arith.maximumf %max3A_691, %slice3A_670 : vector<64x512xf32>
    %max3A_693 = arith.maximumf %max3A_692, %slice3A_671 : vector<64x512xf32>
    %max3A_694 = arith.maximumf %max3A_693, %slice3A_672 : vector<64x512xf32>
    %max3A_695 = arith.maximumf %max3A_694, %slice3A_673 : vector<64x512xf32>
    %max3A_696 = arith.maximumf %max3A_695, %slice3A_674 : vector<64x512xf32>
    %max3A_697 = arith.maximumf %max3A_696, %slice3A_675 : vector<64x512xf32>
    %sub3A_698 = arith.subf %slice3A_668, %max3A_697 : vector<64x512xf32>
    %exp3A_699 = math.exp %sub3A_698 : vector<64x512xf32>
    %sub3A_700 = arith.subf %slice3A_669, %max3A_697 : vector<64x512xf32>
    %exp3A_701 = math.exp %sub3A_700 : vector<64x512xf32>
    %sub3A_702 = arith.subf %slice3A_670, %max3A_697 : vector<64x512xf32>
    %exp3A_703 = math.exp %sub3A_702 : vector<64x512xf32>
    %sub3A_704 = arith.subf %slice3A_671, %max3A_697 : vector<64x512xf32>
    %exp3A_705 = math.exp %sub3A_704 : vector<64x512xf32>
    %sub3A_706 = arith.subf %slice3A_672, %max3A_697 : vector<64x512xf32>
    %exp3A_707 = math.exp %sub3A_706 : vector<64x512xf32>
    %sub3A_708 = arith.subf %slice3A_673, %max3A_697 : vector<64x512xf32>
    %exp3A_709 = math.exp %sub3A_708 : vector<64x512xf32>
    %sub3A_710 = arith.subf %slice3A_674, %max3A_697 : vector<64x512xf32>
    %exp3A_711 = math.exp %sub3A_710 : vector<64x512xf32>
    %sub3A_712 = arith.subf %slice3A_675, %max3A_697 : vector<64x512xf32>
    %exp3A_713 = math.exp %sub3A_712 : vector<64x512xf32>
    %add3A_714 = arith.addf %exp3A_699, %exp3A_701 : vector<64x512xf32>
    %add3A_715 = arith.addf %add3A_714, %exp3A_703 : vector<64x512xf32>
    %add3A_716 = arith.addf %add3A_715, %exp3A_705 : vector<64x512xf32>
    %add3A_717 = arith.addf %add3A_716, %exp3A_707 : vector<64x512xf32>
    %add3A_718 = arith.addf %add3A_717, %exp3A_709 : vector<64x512xf32>
    %add3A_719 = arith.addf %add3A_718, %exp3A_711 : vector<64x512xf32>
    %add3A_720 = arith.addf %add3A_719, %exp3A_713 : vector<64x512xf32>
    %div3A_721 = arith.constant 0.991999983 : f32
    %div3A_722 = vector.broadcast %div3A_721 : f32 to vector<64x512xf32>
    %div3A_723 = arith.divf %div3A_722, %add3A_720 : vector<64x512xf32>
    %mul3A_724 = arith.mulf %exp3A_699, %div3A_723 : vector<64x512xf32>
    %add3A_725 = arith.constant 1.000000e-03 : f32
    %add3A_726 = vector.broadcast %add3A_725 : f32 to vector<64x512xf32>
    %add3A_727 = arith.addf %add3A_726, %mul3A_724 : vector<64x512xf32>
    %mul3A_728 = arith.mulf %exp3A_701, %div3A_723 : vector<64x512xf32>
    %add3A_729 = arith.constant 1.000000e-03 : f32
    %add3A_730 = vector.broadcast %add3A_729 : f32 to vector<64x512xf32>
    %add3A_731 = arith.addf %add3A_730, %mul3A_728 : vector<64x512xf32>
    %mul3A_732 = arith.mulf %exp3A_703, %div3A_723 : vector<64x512xf32>
    %add3A_733 = arith.constant 1.000000e-03 : f32
    %add3A_734 = vector.broadcast %add3A_733 : f32 to vector<64x512xf32>
    %add3A_735 = arith.addf %add3A_734, %mul3A_732 : vector<64x512xf32>
    %mul3A_736 = arith.mulf %exp3A_705, %div3A_723 : vector<64x512xf32>
    %add3A_737 = arith.constant 1.000000e-03 : f32
    %add3A_738 = vector.broadcast %add3A_737 : f32 to vector<64x512xf32>
    %add3A_739 = arith.addf %add3A_738, %mul3A_736 : vector<64x512xf32>
    %mul3A_740 = arith.mulf %exp3A_707, %div3A_723 : vector<64x512xf32>
    %add3A_741 = arith.constant 1.000000e-03 : f32
    %add3A_742 = vector.broadcast %add3A_741 : f32 to vector<64x512xf32>
    %add3A_743 = arith.addf %add3A_742, %mul3A_740 : vector<64x512xf32>
    %mul3A_744 = arith.mulf %exp3A_709, %div3A_723 : vector<64x512xf32>
    %add3A_745 = arith.constant 1.000000e-03 : f32
    %add3A_746 = vector.broadcast %add3A_745 : f32 to vector<64x512xf32>
    %add3A_747 = arith.addf %add3A_746, %mul3A_744 : vector<64x512xf32>
    %mul3A_748 = arith.mulf %exp3A_711, %div3A_723 : vector<64x512xf32>
    %add3A_749 = arith.constant 1.000000e-03 : f32
    %add3A_750 = vector.broadcast %add3A_749 : f32 to vector<64x512xf32>
    %add3A_751 = arith.addf %add3A_750, %mul3A_748 : vector<64x512xf32>
    %mul3A_752 = arith.constant 6.000000e+00 : f32
    %mul3A_753 = vector.broadcast %mul3A_752 : f32 to vector<64x512xf32>
    %mul3A_754 = arith.mulf %mul3A_753, %add3A_727 : vector<64x512xf32>
    %add3A_755 = arith.constant -3.000000e+00 : f32
    %add3A_756 = vector.broadcast %add3A_755 : f32 to vector<64x512xf32>
    %add3A_757 = arith.addf %add3A_756, %mul3A_754 : vector<64x512xf32>
    %add3A_758 = arith.addf %add3A_727, %add3A_731 : vector<64x512xf32>
    %mul3A_759 = arith.constant 6.000000e+00 : f32
    %mul3A_760 = vector.broadcast %mul3A_759 : f32 to vector<64x512xf32>
    %mul3A_761 = arith.mulf %mul3A_760, %add3A_758 : vector<64x512xf32>
    %add3A_762 = arith.constant -3.000000e+00 : f32
    %add3A_763 = vector.broadcast %add3A_762 : f32 to vector<64x512xf32>
    %add3A_764 = arith.addf %add3A_763, %mul3A_761 : vector<64x512xf32>
    %add3A_765 = arith.addf %add3A_758, %add3A_735 : vector<64x512xf32>
    %mul3A_766 = arith.constant 6.000000e+00 : f32
    %mul3A_767 = vector.broadcast %mul3A_766 : f32 to vector<64x512xf32>
    %mul3A_768 = arith.mulf %mul3A_767, %add3A_765 : vector<64x512xf32>
    %add3A_769 = arith.constant -3.000000e+00 : f32
    %add3A_770 = vector.broadcast %add3A_769 : f32 to vector<64x512xf32>
    %add3A_771 = arith.addf %add3A_770, %mul3A_768 : vector<64x512xf32>
    %add3A_772 = arith.addf %add3A_765, %add3A_739 : vector<64x512xf32>
    %mul3A_773 = arith.constant 6.000000e+00 : f32
    %mul3A_774 = vector.broadcast %mul3A_773 : f32 to vector<64x512xf32>
    %mul3A_775 = arith.mulf %mul3A_774, %add3A_772 : vector<64x512xf32>
    %add3A_776 = arith.constant -3.000000e+00 : f32
    %add3A_777 = vector.broadcast %add3A_776 : f32 to vector<64x512xf32>
    %add3A_778 = arith.addf %add3A_777, %mul3A_775 : vector<64x512xf32>
    %add3A_779 = arith.addf %add3A_772, %add3A_743 : vector<64x512xf32>
    %mul3A_780 = arith.constant 6.000000e+00 : f32
    %mul3A_781 = vector.broadcast %mul3A_780 : f32 to vector<64x512xf32>
    %mul3A_782 = arith.mulf %mul3A_781, %add3A_779 : vector<64x512xf32>
    %add3A_783 = arith.constant -3.000000e+00 : f32
    %add3A_784 = vector.broadcast %add3A_783 : f32 to vector<64x512xf32>
    %add3A_785 = arith.addf %add3A_784, %mul3A_782 : vector<64x512xf32>
    %add3A_786 = arith.addf %add3A_779, %add3A_747 : vector<64x512xf32>
    %mul3A_787 = arith.constant 6.000000e+00 : f32
    %mul3A_788 = vector.broadcast %mul3A_787 : f32 to vector<64x512xf32>
    %mul3A_789 = arith.mulf %mul3A_788, %add3A_786 : vector<64x512xf32>
    %add3A_790 = arith.constant -3.000000e+00 : f32
    %add3A_791 = vector.broadcast %add3A_790 : f32 to vector<64x512xf32>
    %add3A_792 = arith.addf %add3A_791, %mul3A_789 : vector<64x512xf32>
    %add3A_793 = arith.addf %add3A_786, %add3A_751 : vector<64x512xf32>
    %mul3A_794 = arith.constant 6.000000e+00 : f32
    %mul3A_795 = vector.broadcast %mul3A_794 : f32 to vector<64x512xf32>
    %mul3A_796 = arith.mulf %mul3A_795, %add3A_793 : vector<64x512xf32>
    %add3A_797 = arith.constant -3.000000e+00 : f32
    %add3A_798 = vector.broadcast %add3A_797 : f32 to vector<64x512xf32>
    %add3A_799 = arith.addf %add3A_798, %mul3A_796 : vector<64x512xf32>
    %sub3A_800 = arith.constant -3.000000e+00 : f32
    %sub3A_801 = vector.broadcast %sub3A_800 : f32 to vector<64x512xf32>
    %sub3A_802 = arith.subf %add3A_757, %sub3A_801 : vector<64x512xf32>
    %sub3A_803 = arith.subf %add3A_764, %add3A_757 : vector<64x512xf32>
    %sub3A_804 = arith.subf %add3A_771, %add3A_764 : vector<64x512xf32>
    %sub3A_805 = arith.subf %add3A_778, %add3A_771 : vector<64x512xf32>
    %sub3A_806 = arith.subf %add3A_785, %add3A_778 : vector<64x512xf32>
    %sub3A_807 = arith.subf %add3A_792, %add3A_785 : vector<64x512xf32>
    %sub3A_808 = arith.subf %add3A_799, %add3A_792 : vector<64x512xf32>
    %sub3A_809 = arith.constant 3.000000e+00 : f32
    %sub3A_810 = vector.broadcast %sub3A_809 : f32 to vector<64x512xf32>
    %sub3A_811 = arith.subf %sub3A_810, %add3A_799 : vector<64x512xf32>
    %max3A_812 = arith.maximumf %slice3A_676, %slice3A_677 : vector<64x512xf32>
    %max3A_813 = arith.maximumf %max3A_812, %slice3A_678 : vector<64x512xf32>
    %max3A_814 = arith.maximumf %max3A_813, %slice3A_679 : vector<64x512xf32>
    %max3A_815 = arith.maximumf %max3A_814, %slice3A_680 : vector<64x512xf32>
    %max3A_816 = arith.maximumf %max3A_815, %slice3A_681 : vector<64x512xf32>
    %max3A_817 = arith.maximumf %max3A_816, %slice3A_682 : vector<64x512xf32>
    %max3A_818 = arith.maximumf %max3A_817, %slice3A_683 : vector<64x512xf32>
    %sub3A_819 = arith.subf %slice3A_676, %max3A_818 : vector<64x512xf32>
    %exp3A_820 = math.exp %sub3A_819 : vector<64x512xf32>
    %sub3A_821 = arith.subf %slice3A_677, %max3A_818 : vector<64x512xf32>
    %exp3A_822 = math.exp %sub3A_821 : vector<64x512xf32>
    %sub3A_823 = arith.subf %slice3A_678, %max3A_818 : vector<64x512xf32>
    %exp3A_824 = math.exp %sub3A_823 : vector<64x512xf32>
    %sub3A_825 = arith.subf %slice3A_679, %max3A_818 : vector<64x512xf32>
    %exp3A_826 = math.exp %sub3A_825 : vector<64x512xf32>
    %sub3A_827 = arith.subf %slice3A_680, %max3A_818 : vector<64x512xf32>
    %exp3A_828 = math.exp %sub3A_827 : vector<64x512xf32>
    %sub3A_829 = arith.subf %slice3A_681, %max3A_818 : vector<64x512xf32>
    %exp3A_830 = math.exp %sub3A_829 : vector<64x512xf32>
    %sub3A_831 = arith.subf %slice3A_682, %max3A_818 : vector<64x512xf32>
    %exp3A_832 = math.exp %sub3A_831 : vector<64x512xf32>
    %sub3A_833 = arith.subf %slice3A_683, %max3A_818 : vector<64x512xf32>
    %exp3A_834 = math.exp %sub3A_833 : vector<64x512xf32>
    %add3A_835 = arith.addf %exp3A_820, %exp3A_822 : vector<64x512xf32>
    %add3A_836 = arith.addf %add3A_835, %exp3A_824 : vector<64x512xf32>
    %add3A_837 = arith.addf %add3A_836, %exp3A_826 : vector<64x512xf32>
    %add3A_838 = arith.addf %add3A_837, %exp3A_828 : vector<64x512xf32>
    %add3A_839 = arith.addf %add3A_838, %exp3A_830 : vector<64x512xf32>
    %add3A_840 = arith.addf %add3A_839, %exp3A_832 : vector<64x512xf32>
    %add3A_841 = arith.addf %add3A_840, %exp3A_834 : vector<64x512xf32>
    %div3A_842 = arith.constant 0.991999983 : f32
    %div3A_843 = vector.broadcast %div3A_842 : f32 to vector<64x512xf32>
    %div3A_844 = arith.divf %div3A_843, %add3A_841 : vector<64x512xf32>
    %mul3A_845 = arith.mulf %exp3A_820, %div3A_844 : vector<64x512xf32>
    %add3A_846 = arith.constant 1.000000e-03 : f32
    %add3A_847 = vector.broadcast %add3A_846 : f32 to vector<64x512xf32>
    %add3A_848 = arith.addf %add3A_847, %mul3A_845 : vector<64x512xf32>
    %mul3A_849 = arith.mulf %exp3A_822, %div3A_844 : vector<64x512xf32>
    %add3A_850 = arith.constant 1.000000e-03 : f32
    %add3A_851 = vector.broadcast %add3A_850 : f32 to vector<64x512xf32>
    %add3A_852 = arith.addf %add3A_851, %mul3A_849 : vector<64x512xf32>
    %mul3A_853 = arith.mulf %exp3A_824, %div3A_844 : vector<64x512xf32>
    %add3A_854 = arith.constant 1.000000e-03 : f32
    %add3A_855 = vector.broadcast %add3A_854 : f32 to vector<64x512xf32>
    %add3A_856 = arith.addf %add3A_855, %mul3A_853 : vector<64x512xf32>
    %mul3A_857 = arith.mulf %exp3A_826, %div3A_844 : vector<64x512xf32>
    %add3A_858 = arith.constant 1.000000e-03 : f32
    %add3A_859 = vector.broadcast %add3A_858 : f32 to vector<64x512xf32>
    %add3A_860 = arith.addf %add3A_859, %mul3A_857 : vector<64x512xf32>
    %mul3A_861 = arith.mulf %exp3A_828, %div3A_844 : vector<64x512xf32>
    %add3A_862 = arith.constant 1.000000e-03 : f32
    %add3A_863 = vector.broadcast %add3A_862 : f32 to vector<64x512xf32>
    %add3A_864 = arith.addf %add3A_863, %mul3A_861 : vector<64x512xf32>
    %mul3A_865 = arith.mulf %exp3A_830, %div3A_844 : vector<64x512xf32>
    %add3A_866 = arith.constant 1.000000e-03 : f32
    %add3A_867 = vector.broadcast %add3A_866 : f32 to vector<64x512xf32>
    %add3A_868 = arith.addf %add3A_867, %mul3A_865 : vector<64x512xf32>
    %mul3A_869 = arith.mulf %exp3A_832, %div3A_844 : vector<64x512xf32>
    %add3A_870 = arith.constant 1.000000e-03 : f32
    %add3A_871 = vector.broadcast %add3A_870 : f32 to vector<64x512xf32>
    %add3A_872 = arith.addf %add3A_871, %mul3A_869 : vector<64x512xf32>
    %mul3A_873 = arith.constant 6.000000e+00 : f32
    %mul3A_874 = vector.broadcast %mul3A_873 : f32 to vector<64x512xf32>
    %mul3A_875 = arith.mulf %mul3A_874, %add3A_848 : vector<64x512xf32>
    %add3A_876 = arith.constant -3.000000e+00 : f32
    %add3A_877 = vector.broadcast %add3A_876 : f32 to vector<64x512xf32>
    %add3A_878 = arith.addf %add3A_877, %mul3A_875 : vector<64x512xf32>
    %add3A_879 = arith.addf %add3A_848, %add3A_852 : vector<64x512xf32>
    %mul3A_880 = arith.constant 6.000000e+00 : f32
    %mul3A_881 = vector.broadcast %mul3A_880 : f32 to vector<64x512xf32>
    %mul3A_882 = arith.mulf %mul3A_881, %add3A_879 : vector<64x512xf32>
    %add3A_883 = arith.constant -3.000000e+00 : f32
    %add3A_884 = vector.broadcast %add3A_883 : f32 to vector<64x512xf32>
    %add3A_885 = arith.addf %add3A_884, %mul3A_882 : vector<64x512xf32>
    %add3A_886 = arith.addf %add3A_879, %add3A_856 : vector<64x512xf32>
    %mul3A_887 = arith.constant 6.000000e+00 : f32
    %mul3A_888 = vector.broadcast %mul3A_887 : f32 to vector<64x512xf32>
    %mul3A_889 = arith.mulf %mul3A_888, %add3A_886 : vector<64x512xf32>
    %add3A_890 = arith.constant -3.000000e+00 : f32
    %add3A_891 = vector.broadcast %add3A_890 : f32 to vector<64x512xf32>
    %add3A_892 = arith.addf %add3A_891, %mul3A_889 : vector<64x512xf32>
    %add3A_893 = arith.addf %add3A_886, %add3A_860 : vector<64x512xf32>
    %mul3A_894 = arith.constant 6.000000e+00 : f32
    %mul3A_895 = vector.broadcast %mul3A_894 : f32 to vector<64x512xf32>
    %mul3A_896 = arith.mulf %mul3A_895, %add3A_893 : vector<64x512xf32>
    %add3A_897 = arith.constant -3.000000e+00 : f32
    %add3A_898 = vector.broadcast %add3A_897 : f32 to vector<64x512xf32>
    %add3A_899 = arith.addf %add3A_898, %mul3A_896 : vector<64x512xf32>
    %add3A_900 = arith.addf %add3A_893, %add3A_864 : vector<64x512xf32>
    %mul3A_901 = arith.constant 6.000000e+00 : f32
    %mul3A_902 = vector.broadcast %mul3A_901 : f32 to vector<64x512xf32>
    %mul3A_903 = arith.mulf %mul3A_902, %add3A_900 : vector<64x512xf32>
    %add3A_904 = arith.constant -3.000000e+00 : f32
    %add3A_905 = vector.broadcast %add3A_904 : f32 to vector<64x512xf32>
    %add3A_906 = arith.addf %add3A_905, %mul3A_903 : vector<64x512xf32>
    %add3A_907 = arith.addf %add3A_900, %add3A_868 : vector<64x512xf32>
    %mul3A_908 = arith.constant 6.000000e+00 : f32
    %mul3A_909 = vector.broadcast %mul3A_908 : f32 to vector<64x512xf32>
    %mul3A_910 = arith.mulf %mul3A_909, %add3A_907 : vector<64x512xf32>
    %add3A_911 = arith.constant -3.000000e+00 : f32
    %add3A_912 = vector.broadcast %add3A_911 : f32 to vector<64x512xf32>
    %add3A_913 = arith.addf %add3A_912, %mul3A_910 : vector<64x512xf32>
    %add3A_914 = arith.addf %add3A_907, %add3A_872 : vector<64x512xf32>
    %mul3A_915 = arith.constant 6.000000e+00 : f32
    %mul3A_916 = vector.broadcast %mul3A_915 : f32 to vector<64x512xf32>
    %mul3A_917 = arith.mulf %mul3A_916, %add3A_914 : vector<64x512xf32>
    %add3A_918 = arith.constant -3.000000e+00 : f32
    %add3A_919 = vector.broadcast %add3A_918 : f32 to vector<64x512xf32>
    %add3A_920 = arith.addf %add3A_919, %mul3A_917 : vector<64x512xf32>
    %sub3A_921 = arith.constant -3.000000e+00 : f32
    %sub3A_922 = vector.broadcast %sub3A_921 : f32 to vector<64x512xf32>
    %sub3A_923 = arith.subf %add3A_878, %sub3A_922 : vector<64x512xf32>
    %sub3A_924 = arith.subf %add3A_885, %add3A_878 : vector<64x512xf32>
    %sub3A_925 = arith.subf %add3A_892, %add3A_885 : vector<64x512xf32>
    %sub3A_926 = arith.subf %add3A_899, %add3A_892 : vector<64x512xf32>
    %sub3A_927 = arith.subf %add3A_906, %add3A_899 : vector<64x512xf32>
    %sub3A_928 = arith.subf %add3A_913, %add3A_906 : vector<64x512xf32>
    %sub3A_929 = arith.subf %add3A_920, %add3A_913 : vector<64x512xf32>
    %sub3A_930 = arith.constant 3.000000e+00 : f32
    %sub3A_931 = vector.broadcast %sub3A_930 : f32 to vector<64x512xf32>
    %sub3A_932 = arith.subf %sub3A_931, %add3A_920 : vector<64x512xf32>
    %custom_jvp_call3A_933 = arith.constant 0.000000e+00 : f32
    %max3A_934 = vector.broadcast %custom_jvp_call3A_933 : f32 to vector<64x512xf32>
    %max3A_935 = arith.maximumf %slice3A_684, %max3A_934 : vector<64x512xf32>
    %sub3A_936 = vector.broadcast %custom_jvp_call3A_933 : f32 to vector<64x512xf32>
    %sub3A_937 = arith.subf %slice3A_684, %sub3A_936 : vector<64x512xf32>
    %ne3A_938 = arith.cmpf one, %sub3A_937, %sub3A_937 : vector<64x512xf32>
    %add3A_939 = vector.broadcast %custom_jvp_call3A_933 : f32 to vector<64x512xf32>
    %add3A_940 = arith.addf %slice3A_684, %add3A_939 : vector<64x512xf32>
    %abs3A_941 = math.absf %sub3A_937 : vector<64x512xf32>
    %neg3A_942 = arith.constant 0.000000e+00 : f32
    %neg3A_943 = vector.broadcast %neg3A_942 : f32 to vector<64x512xf32>
    %neg3A_944 = arith.subf %neg3A_943, %abs3A_941 : vector<64x512xf32>
    %exp3A_945 = math.exp %neg3A_944 : vector<64x512xf32>
    %log1p3A_946 = math.log1p %exp3A_945 : vector<64x512xf32>
    %add3A_947 = arith.addf %max3A_935, %log1p3A_946 : vector<64x512xf32>
    %select_n3A_948 = arith.select %ne3A_938, %add3A_940, %add3A_947 : vector<64x512xi1>, vector<64x512xf32>
    %add3A_949 = arith.constant 1.000000e-03 : f32
    %add3A_950 = vector.broadcast %add3A_949 : f32 to vector<64x512xf32>
    %add3A_951 = arith.addf %add3A_950, %select_n3A_948 : vector<64x512xf32>
    %custom_jvp_call3A_952 = arith.constant 0.000000e+00 : f32
    %max3A_953 = vector.broadcast %custom_jvp_call3A_952 : f32 to vector<64x512xf32>
    %max3A_954 = arith.maximumf %slice3A_685, %max3A_953 : vector<64x512xf32>
    %sub3A_955 = vector.broadcast %custom_jvp_call3A_952 : f32 to vector<64x512xf32>
    %sub3A_956 = arith.subf %slice3A_685, %sub3A_955 : vector<64x512xf32>
    %ne3A_957 = arith.cmpf one, %sub3A_956, %sub3A_956 : vector<64x512xf32>
    %add3A_958 = vector.broadcast %custom_jvp_call3A_952 : f32 to vector<64x512xf32>
    %add3A_959 = arith.addf %slice3A_685, %add3A_958 : vector<64x512xf32>
    %abs3A_960 = math.absf %sub3A_956 : vector<64x512xf32>
    %neg3A_961 = arith.constant 0.000000e+00 : f32
    %neg3A_962 = vector.broadcast %neg3A_961 : f32 to vector<64x512xf32>
    %neg3A_963 = arith.subf %neg3A_962, %abs3A_960 : vector<64x512xf32>
    %exp3A_964 = math.exp %neg3A_963 : vector<64x512xf32>
    %log1p3A_965 = math.log1p %exp3A_964 : vector<64x512xf32>
    %add3A_966 = arith.addf %max3A_954, %log1p3A_965 : vector<64x512xf32>
    %select_n3A_967 = arith.select %ne3A_957, %add3A_959, %add3A_966 : vector<64x512xi1>, vector<64x512xf32>
    %add3A_968 = arith.constant 1.000000e-03 : f32
    %add3A_969 = vector.broadcast %add3A_968 : f32 to vector<64x512xf32>
    %add3A_970 = arith.addf %add3A_969, %select_n3A_967 : vector<64x512xf32>
    %custom_jvp_call3A_971 = arith.constant 0.000000e+00 : f32
    %max3A_972 = vector.broadcast %custom_jvp_call3A_971 : f32 to vector<64x512xf32>
    %max3A_973 = arith.maximumf %slice3A_686, %max3A_972 : vector<64x512xf32>
    %sub3A_974 = vector.broadcast %custom_jvp_call3A_971 : f32 to vector<64x512xf32>
    %sub3A_975 = arith.subf %slice3A_686, %sub3A_974 : vector<64x512xf32>
    %ne3A_976 = arith.cmpf one, %sub3A_975, %sub3A_975 : vector<64x512xf32>
    %add3A_977 = vector.broadcast %custom_jvp_call3A_971 : f32 to vector<64x512xf32>
    %add3A_978 = arith.addf %slice3A_686, %add3A_977 : vector<64x512xf32>
    %abs3A_979 = math.absf %sub3A_975 : vector<64x512xf32>
    %neg3A_980 = arith.constant 0.000000e+00 : f32
    %neg3A_981 = vector.broadcast %neg3A_980 : f32 to vector<64x512xf32>
    %neg3A_982 = arith.subf %neg3A_981, %abs3A_979 : vector<64x512xf32>
    %exp3A_983 = math.exp %neg3A_982 : vector<64x512xf32>
    %log1p3A_984 = math.log1p %exp3A_983 : vector<64x512xf32>
    %add3A_985 = arith.addf %max3A_973, %log1p3A_984 : vector<64x512xf32>
    %select_n3A_986 = arith.select %ne3A_976, %add3A_978, %add3A_985 : vector<64x512xi1>, vector<64x512xf32>
    %add3A_987 = arith.constant 1.000000e-03 : f32
    %add3A_988 = vector.broadcast %add3A_987 : f32 to vector<64x512xf32>
    %add3A_989 = arith.addf %add3A_988, %select_n3A_986 : vector<64x512xf32>
    %custom_jvp_call3A_990 = arith.constant 0.000000e+00 : f32
    %max3A_991 = vector.broadcast %custom_jvp_call3A_990 : f32 to vector<64x512xf32>
    %max3A_992 = arith.maximumf %slice3A_687, %max3A_991 : vector<64x512xf32>
    %sub3A_993 = vector.broadcast %custom_jvp_call3A_990 : f32 to vector<64x512xf32>
    %sub3A_994 = arith.subf %slice3A_687, %sub3A_993 : vector<64x512xf32>
    %ne3A_995 = arith.cmpf one, %sub3A_994, %sub3A_994 : vector<64x512xf32>
    %add3A_996 = vector.broadcast %custom_jvp_call3A_990 : f32 to vector<64x512xf32>
    %add3A_997 = arith.addf %slice3A_687, %add3A_996 : vector<64x512xf32>
    %abs3A_998 = math.absf %sub3A_994 : vector<64x512xf32>
    %neg3A_999 = arith.constant 0.000000e+00 : f32
    %neg3A_1000 = vector.broadcast %neg3A_999 : f32 to vector<64x512xf32>
    %neg3A_1001 = arith.subf %neg3A_1000, %abs3A_998 : vector<64x512xf32>
    %exp3A_1002 = math.exp %neg3A_1001 : vector<64x512xf32>
    %log1p3A_1003 = math.log1p %exp3A_1002 : vector<64x512xf32>
    %add3A_1004 = arith.addf %max3A_992, %log1p3A_1003 : vector<64x512xf32>
    %select_n3A_1005 = arith.select %ne3A_995, %add3A_997, %add3A_1004 : vector<64x512xi1>, vector<64x512xf32>
    %add3A_1006 = arith.constant 1.000000e-03 : f32
    %add3A_1007 = vector.broadcast %add3A_1006 : f32 to vector<64x512xf32>
    %add3A_1008 = arith.addf %add3A_1007, %select_n3A_1005 : vector<64x512xf32>
    %custom_jvp_call3A_1009 = arith.constant 0.000000e+00 : f32
    %max3A_1010 = vector.broadcast %custom_jvp_call3A_1009 : f32 to vector<64x512xf32>
    %max3A_1011 = arith.maximumf %slice3A_688, %max3A_1010 : vector<64x512xf32>
    %sub3A_1012 = vector.broadcast %custom_jvp_call3A_1009 : f32 to vector<64x512xf32>
    %sub3A_1013 = arith.subf %slice3A_688, %sub3A_1012 : vector<64x512xf32>
    %ne3A_1014 = arith.cmpf one, %sub3A_1013, %sub3A_1013 : vector<64x512xf32>
    %add3A_1015 = vector.broadcast %custom_jvp_call3A_1009 : f32 to vector<64x512xf32>
    %add3A_1016 = arith.addf %slice3A_688, %add3A_1015 : vector<64x512xf32>
    %abs3A_1017 = math.absf %sub3A_1013 : vector<64x512xf32>
    %neg3A_1018 = arith.constant 0.000000e+00 : f32
    %neg3A_1019 = vector.broadcast %neg3A_1018 : f32 to vector<64x512xf32>
    %neg3A_1020 = arith.subf %neg3A_1019, %abs3A_1017 : vector<64x512xf32>
    %exp3A_1021 = math.exp %neg3A_1020 : vector<64x512xf32>
    %log1p3A_1022 = math.log1p %exp3A_1021 : vector<64x512xf32>
    %add3A_1023 = arith.addf %max3A_1011, %log1p3A_1022 : vector<64x512xf32>
    %select_n3A_1024 = arith.select %ne3A_1014, %add3A_1016, %add3A_1023 : vector<64x512xi1>, vector<64x512xf32>
    %add3A_1025 = arith.constant 1.000000e-03 : f32
    %add3A_1026 = vector.broadcast %add3A_1025 : f32 to vector<64x512xf32>
    %add3A_1027 = arith.addf %add3A_1026, %select_n3A_1024 : vector<64x512xf32>
    %custom_jvp_call3A_1028 = arith.constant 0.000000e+00 : f32
    %max3A_1029 = vector.broadcast %custom_jvp_call3A_1028 : f32 to vector<64x512xf32>
    %max3A_1030 = arith.maximumf %slice3A_689, %max3A_1029 : vector<64x512xf32>
    %sub3A_1031 = vector.broadcast %custom_jvp_call3A_1028 : f32 to vector<64x512xf32>
    %sub3A_1032 = arith.subf %slice3A_689, %sub3A_1031 : vector<64x512xf32>
    %ne3A_1033 = arith.cmpf one, %sub3A_1032, %sub3A_1032 : vector<64x512xf32>
    %add3A_1034 = vector.broadcast %custom_jvp_call3A_1028 : f32 to vector<64x512xf32>
    %add3A_1035 = arith.addf %slice3A_689, %add3A_1034 : vector<64x512xf32>
    %abs3A_1036 = math.absf %sub3A_1032 : vector<64x512xf32>
    %neg3A_1037 = arith.constant 0.000000e+00 : f32
    %neg3A_1038 = vector.broadcast %neg3A_1037 : f32 to vector<64x512xf32>
    %neg3A_1039 = arith.subf %neg3A_1038, %abs3A_1036 : vector<64x512xf32>
    %exp3A_1040 = math.exp %neg3A_1039 : vector<64x512xf32>
    %log1p3A_1041 = math.log1p %exp3A_1040 : vector<64x512xf32>
    %add3A_1042 = arith.addf %max3A_1030, %log1p3A_1041 : vector<64x512xf32>
    %select_n3A_1043 = arith.select %ne3A_1033, %add3A_1035, %add3A_1042 : vector<64x512xi1>, vector<64x512xf32>
    %add3A_1044 = arith.constant 1.000000e-03 : f32
    %add3A_1045 = vector.broadcast %add3A_1044 : f32 to vector<64x512xf32>
    %add3A_1046 = arith.addf %add3A_1045, %select_n3A_1043 : vector<64x512xf32>
    %custom_jvp_call3A_1047 = arith.constant 0.000000e+00 : f32
    %max3A_1048 = vector.broadcast %custom_jvp_call3A_1047 : f32 to vector<64x512xf32>
    %max3A_1049 = arith.maximumf %slice3A_690, %max3A_1048 : vector<64x512xf32>
    %sub3A_1050 = vector.broadcast %custom_jvp_call3A_1047 : f32 to vector<64x512xf32>
    %sub3A_1051 = arith.subf %slice3A_690, %sub3A_1050 : vector<64x512xf32>
    %ne3A_1052 = arith.cmpf one, %sub3A_1051, %sub3A_1051 : vector<64x512xf32>
    %add3A_1053 = vector.broadcast %custom_jvp_call3A_1047 : f32 to vector<64x512xf32>
    %add3A_1054 = arith.addf %slice3A_690, %add3A_1053 : vector<64x512xf32>
    %abs3A_1055 = math.absf %sub3A_1051 : vector<64x512xf32>
    %neg3A_1056 = arith.constant 0.000000e+00 : f32
    %neg3A_1057 = vector.broadcast %neg3A_1056 : f32 to vector<64x512xf32>
    %neg3A_1058 = arith.subf %neg3A_1057, %abs3A_1055 : vector<64x512xf32>
    %exp3A_1059 = math.exp %neg3A_1058 : vector<64x512xf32>
    %log1p3A_1060 = math.log1p %exp3A_1059 : vector<64x512xf32>
    %add3A_1061 = arith.addf %max3A_1049, %log1p3A_1060 : vector<64x512xf32>
    %select_n3A_1062 = arith.select %ne3A_1052, %add3A_1054, %add3A_1061 : vector<64x512xi1>, vector<64x512xf32>
    %add3A_1063 = arith.constant 1.000000e-03 : f32
    %add3A_1064 = vector.broadcast %add3A_1063 : f32 to vector<64x512xf32>
    %add3A_1065 = arith.addf %add3A_1064, %select_n3A_1062 : vector<64x512xf32>
    %ge3A_1066 = arith.constant -3.000000e+00 : f32
    %ge3A_1067 = vector.broadcast %ge3A_1066 : f32 to vector<64x512xf32>
    %ge3A_1068 = arith.cmpf oge, %slice3A, %ge3A_1067 : vector<64x512xf32>
    %jit3A_1069 = arith.constant 1 : i32
    %jit3A_1070 = arith.constant 0 : i32
    %broadcast_in_dim3A_1071 = vector.broadcast %jit3A_1069 : i32 to vector<64x512xi32>
    %broadcast_in_dim3A_1072 = vector.broadcast %jit3A_1070 : i32 to vector<64x512xi32>
    %select_n3A_1073 = arith.select %ge3A_1068, %broadcast_in_dim3A_1071, %broadcast_in_dim3A_1072 : vector<64x512xi1>, vector<64x512xi32>
    %ge3A_1074 = arith.cmpf oge, %slice3A, %add3A_757 : vector<64x512xf32>
    %jit3A_1075 = arith.constant 1 : i32
    %jit3A_1076 = arith.constant 0 : i32
    %broadcast_in_dim3A_1077 = vector.broadcast %jit3A_1075 : i32 to vector<64x512xi32>
    %broadcast_in_dim3A_1078 = vector.broadcast %jit3A_1076 : i32 to vector<64x512xi32>
    %select_n3A_1079 = arith.select %ge3A_1074, %broadcast_in_dim3A_1077, %broadcast_in_dim3A_1078 : vector<64x512xi1>, vector<64x512xi32>
    %add3A_1080 = arith.addi %select_n3A_1073, %select_n3A_1079 : vector<64x512xi32>
    %ge3A_1081 = arith.cmpf oge, %slice3A, %add3A_764 : vector<64x512xf32>
    %jit3A_1082 = arith.constant 1 : i32
    %jit3A_1083 = arith.constant 0 : i32
    %broadcast_in_dim3A_1084 = vector.broadcast %jit3A_1082 : i32 to vector<64x512xi32>
    %broadcast_in_dim3A_1085 = vector.broadcast %jit3A_1083 : i32 to vector<64x512xi32>
    %select_n3A_1086 = arith.select %ge3A_1081, %broadcast_in_dim3A_1084, %broadcast_in_dim3A_1085 : vector<64x512xi1>, vector<64x512xi32>
    %add3A_1087 = arith.addi %add3A_1080, %select_n3A_1086 : vector<64x512xi32>
    %ge3A_1088 = arith.cmpf oge, %slice3A, %add3A_771 : vector<64x512xf32>
    %jit3A_1089 = arith.constant 1 : i32
    %jit3A_1090 = arith.constant 0 : i32
    %broadcast_in_dim3A_1091 = vector.broadcast %jit3A_1089 : i32 to vector<64x512xi32>
    %broadcast_in_dim3A_1092 = vector.broadcast %jit3A_1090 : i32 to vector<64x512xi32>
    %select_n3A_1093 = arith.select %ge3A_1088, %broadcast_in_dim3A_1091, %broadcast_in_dim3A_1092 : vector<64x512xi1>, vector<64x512xi32>
    %add3A_1094 = arith.addi %add3A_1087, %select_n3A_1093 : vector<64x512xi32>
    %ge3A_1095 = arith.cmpf oge, %slice3A, %add3A_778 : vector<64x512xf32>
    %jit3A_1096 = arith.constant 1 : i32
    %jit3A_1097 = arith.constant 0 : i32
    %broadcast_in_dim3A_1098 = vector.broadcast %jit3A_1096 : i32 to vector<64x512xi32>
    %broadcast_in_dim3A_1099 = vector.broadcast %jit3A_1097 : i32 to vector<64x512xi32>
    %select_n3A_1100 = arith.select %ge3A_1095, %broadcast_in_dim3A_1098, %broadcast_in_dim3A_1099 : vector<64x512xi1>, vector<64x512xi32>
    %add3A_1101 = arith.addi %add3A_1094, %select_n3A_1100 : vector<64x512xi32>
    %ge3A_1102 = arith.cmpf oge, %slice3A, %add3A_785 : vector<64x512xf32>
    %jit3A_1103 = arith.constant 1 : i32
    %jit3A_1104 = arith.constant 0 : i32
    %broadcast_in_dim3A_1105 = vector.broadcast %jit3A_1103 : i32 to vector<64x512xi32>
    %broadcast_in_dim3A_1106 = vector.broadcast %jit3A_1104 : i32 to vector<64x512xi32>
    %select_n3A_1107 = arith.select %ge3A_1102, %broadcast_in_dim3A_1105, %broadcast_in_dim3A_1106 : vector<64x512xi1>, vector<64x512xi32>
    %add3A_1108 = arith.addi %add3A_1101, %select_n3A_1107 : vector<64x512xi32>
    %ge3A_1109 = arith.cmpf oge, %slice3A, %add3A_792 : vector<64x512xf32>
    %jit3A_1110 = arith.constant 1 : i32
    %jit3A_1111 = arith.constant 0 : i32
    %broadcast_in_dim3A_1112 = vector.broadcast %jit3A_1110 : i32 to vector<64x512xi32>
    %broadcast_in_dim3A_1113 = vector.broadcast %jit3A_1111 : i32 to vector<64x512xi32>
    %select_n3A_1114 = arith.select %ge3A_1109, %broadcast_in_dim3A_1112, %broadcast_in_dim3A_1113 : vector<64x512xi1>, vector<64x512xi32>
    %add3A_1115 = arith.addi %add3A_1108, %select_n3A_1114 : vector<64x512xi32>
    %ge3A_1116 = arith.cmpf oge, %slice3A, %add3A_799 : vector<64x512xf32>
    %jit3A_1117 = arith.constant 1 : i32
    %jit3A_1118 = arith.constant 0 : i32
    %broadcast_in_dim3A_1119 = vector.broadcast %jit3A_1117 : i32 to vector<64x512xi32>
    %broadcast_in_dim3A_1120 = vector.broadcast %jit3A_1118 : i32 to vector<64x512xi32>
    %select_n3A_1121 = arith.select %ge3A_1116, %broadcast_in_dim3A_1119, %broadcast_in_dim3A_1120 : vector<64x512xi1>, vector<64x512xi32>
    %add3A_1122 = arith.addi %add3A_1115, %select_n3A_1121 : vector<64x512xi32>
    %ge3A_1123 = arith.constant 3.00000095 : f32
    %ge3A_1124 = vector.broadcast %ge3A_1123 : f32 to vector<64x512xf32>
    %ge3A_1125 = arith.cmpf oge, %slice3A, %ge3A_1124 : vector<64x512xf32>
    %jit3A_1126 = arith.constant 1 : i32
    %jit3A_1127 = arith.constant 0 : i32
    %broadcast_in_dim3A_1128 = vector.broadcast %jit3A_1126 : i32 to vector<64x512xi32>
    %broadcast_in_dim3A_1129 = vector.broadcast %jit3A_1127 : i32 to vector<64x512xi32>
    %select_n3A_1130 = arith.select %ge3A_1125, %broadcast_in_dim3A_1128, %broadcast_in_dim3A_1129 : vector<64x512xi1>, vector<64x512xi32>
    %add3A_1131 = arith.addi %add3A_1122, %select_n3A_1130 : vector<64x512xi32>
    %sub3A_1132 = arith.constant 1 : i32
    %sub3A_1133 = vector.broadcast %sub3A_1132 : i32 to vector<64x512xi32>
    %sub3A_1134 = arith.subi %add3A_1131, %sub3A_1133 : vector<64x512xi32>
    %jit3A_1135 = arith.constant 0 : i32
    %jit3A_1136 = arith.constant 7 : i32
    %max3A_1137 = vector.broadcast %jit3A_1135 : i32 to vector<64x512xi32>
    %max3A_1138 = arith.maxsi %max3A_1137, %sub3A_1134 : vector<64x512xi32>
    %min3A_1139 = vector.broadcast %jit3A_1136 : i32 to vector<64x512xi32>
    %min3A_1140 = arith.minsi %min3A_1139, %max3A_1138 : vector<64x512xi32>
    %broadcast_in_dim3A_1141 = arith.constant -3.000000e+00 : f32
    %broadcast_in_dim3A_1142 = vector.broadcast %broadcast_in_dim3A_1141 : f32 to vector<64x512xf32>
    %broadcast_in_dim3A_1143 = arith.constant -3.000000e+00 : f32
    %broadcast_in_dim3A_1144 = vector.broadcast %broadcast_in_dim3A_1143 : f32 to vector<64x512xf32>
    %broadcast_in_dim3A_1145 = arith.constant 1.000000e+00 : f32
    %broadcast_in_dim3A_1146 = vector.broadcast %broadcast_in_dim3A_1145 : f32 to vector<64x512xf32>
    %eq3A_1147 = arith.constant 1 : i32
    %eq3A_1148 = vector.broadcast %eq3A_1147 : i32 to vector<64x512xi32>
    %eq3A_1149 = arith.cmpi eq, %min3A_1140, %eq3A_1148 : vector<64x512xi32>
    %select_n3A_1150 = arith.select %eq3A_1149, %add3A_757, %broadcast_in_dim3A_1142 : vector<64x512xi1>, vector<64x512xf32>
    %select_n3A_1151 = arith.select %eq3A_1149, %sub3A_803, %sub3A_802 : vector<64x512xi1>, vector<64x512xf32>
    %select_n3A_1152 = arith.select %eq3A_1149, %add3A_878, %broadcast_in_dim3A_1144 : vector<64x512xi1>, vector<64x512xf32>
    %select_n3A_1153 = arith.select %eq3A_1149, %sub3A_924, %sub3A_923 : vector<64x512xi1>, vector<64x512xf32>
    %select_n3A_1154 = arith.select %eq3A_1149, %add3A_951, %broadcast_in_dim3A_1146 : vector<64x512xi1>, vector<64x512xf32>
    %select_n3A_1155 = arith.select %eq3A_1149, %add3A_970, %add3A_951 : vector<64x512xi1>, vector<64x512xf32>
    %eq3A_1156 = arith.constant 2 : i32
    %eq3A_1157 = vector.broadcast %eq3A_1156 : i32 to vector<64x512xi32>
    %eq3A_1158 = arith.cmpi eq, %min3A_1140, %eq3A_1157 : vector<64x512xi32>
    %select_n3A_1159 = arith.select %eq3A_1158, %add3A_764, %select_n3A_1150 : vector<64x512xi1>, vector<64x512xf32>
    %select_n3A_1160 = arith.select %eq3A_1158, %sub3A_804, %select_n3A_1151 : vector<64x512xi1>, vector<64x512xf32>
    %select_n3A_1161 = arith.select %eq3A_1158, %add3A_885, %select_n3A_1152 : vector<64x512xi1>, vector<64x512xf32>
    %select_n3A_1162 = arith.select %eq3A_1158, %sub3A_925, %select_n3A_1153 : vector<64x512xi1>, vector<64x512xf32>
    %select_n3A_1163 = arith.select %eq3A_1158, %add3A_970, %select_n3A_1154 : vector<64x512xi1>, vector<64x512xf32>
    %select_n3A_1164 = arith.select %eq3A_1158, %add3A_989, %select_n3A_1155 : vector<64x512xi1>, vector<64x512xf32>
    %eq3A_1165 = arith.constant 3 : i32
    %eq3A_1166 = vector.broadcast %eq3A_1165 : i32 to vector<64x512xi32>
    %eq3A_1167 = arith.cmpi eq, %min3A_1140, %eq3A_1166 : vector<64x512xi32>
    %select_n3A_1168 = arith.select %eq3A_1167, %add3A_771, %select_n3A_1159 : vector<64x512xi1>, vector<64x512xf32>
    %select_n3A_1169 = arith.select %eq3A_1167, %sub3A_805, %select_n3A_1160 : vector<64x512xi1>, vector<64x512xf32>
    %select_n3A_1170 = arith.select %eq3A_1167, %add3A_892, %select_n3A_1161 : vector<64x512xi1>, vector<64x512xf32>
    %select_n3A_1171 = arith.select %eq3A_1167, %sub3A_926, %select_n3A_1162 : vector<64x512xi1>, vector<64x512xf32>
    %select_n3A_1172 = arith.select %eq3A_1167, %add3A_989, %select_n3A_1163 : vector<64x512xi1>, vector<64x512xf32>
    %select_n3A_1173 = arith.select %eq3A_1167, %add3A_1008, %select_n3A_1164 : vector<64x512xi1>, vector<64x512xf32>
    %eq3A_1174 = arith.constant 4 : i32
    %eq3A_1175 = vector.broadcast %eq3A_1174 : i32 to vector<64x512xi32>
    %eq3A_1176 = arith.cmpi eq, %min3A_1140, %eq3A_1175 : vector<64x512xi32>
    %select_n3A_1177 = arith.select %eq3A_1176, %add3A_778, %select_n3A_1168 : vector<64x512xi1>, vector<64x512xf32>
    %select_n3A_1178 = arith.select %eq3A_1176, %sub3A_806, %select_n3A_1169 : vector<64x512xi1>, vector<64x512xf32>
    %select_n3A_1179 = arith.select %eq3A_1176, %add3A_899, %select_n3A_1170 : vector<64x512xi1>, vector<64x512xf32>
    %select_n3A_1180 = arith.select %eq3A_1176, %sub3A_927, %select_n3A_1171 : vector<64x512xi1>, vector<64x512xf32>
    %select_n3A_1181 = arith.select %eq3A_1176, %add3A_1008, %select_n3A_1172 : vector<64x512xi1>, vector<64x512xf32>
    %select_n3A_1182 = arith.select %eq3A_1176, %add3A_1027, %select_n3A_1173 : vector<64x512xi1>, vector<64x512xf32>
    %eq3A_1183 = arith.constant 5 : i32
    %eq3A_1184 = vector.broadcast %eq3A_1183 : i32 to vector<64x512xi32>
    %eq3A_1185 = arith.cmpi eq, %min3A_1140, %eq3A_1184 : vector<64x512xi32>
    %select_n3A_1186 = arith.select %eq3A_1185, %add3A_785, %select_n3A_1177 : vector<64x512xi1>, vector<64x512xf32>
    %select_n3A_1187 = arith.select %eq3A_1185, %sub3A_807, %select_n3A_1178 : vector<64x512xi1>, vector<64x512xf32>
    %select_n3A_1188 = arith.select %eq3A_1185, %add3A_906, %select_n3A_1179 : vector<64x512xi1>, vector<64x512xf32>
    %select_n3A_1189 = arith.select %eq3A_1185, %sub3A_928, %select_n3A_1180 : vector<64x512xi1>, vector<64x512xf32>
    %select_n3A_1190 = arith.select %eq3A_1185, %add3A_1027, %select_n3A_1181 : vector<64x512xi1>, vector<64x512xf32>
    %select_n3A_1191 = arith.select %eq3A_1185, %add3A_1046, %select_n3A_1182 : vector<64x512xi1>, vector<64x512xf32>
    %eq3A_1192 = arith.constant 6 : i32
    %eq3A_1193 = vector.broadcast %eq3A_1192 : i32 to vector<64x512xi32>
    %eq3A_1194 = arith.cmpi eq, %min3A_1140, %eq3A_1193 : vector<64x512xi32>
    %select_n3A_1195 = arith.select %eq3A_1194, %add3A_792, %select_n3A_1186 : vector<64x512xi1>, vector<64x512xf32>
    %select_n3A_1196 = arith.select %eq3A_1194, %sub3A_808, %select_n3A_1187 : vector<64x512xi1>, vector<64x512xf32>
    %select_n3A_1197 = arith.select %eq3A_1194, %add3A_913, %select_n3A_1188 : vector<64x512xi1>, vector<64x512xf32>
    %select_n3A_1198 = arith.select %eq3A_1194, %sub3A_929, %select_n3A_1189 : vector<64x512xi1>, vector<64x512xf32>
    %select_n3A_1199 = arith.select %eq3A_1194, %add3A_1046, %select_n3A_1190 : vector<64x512xi1>, vector<64x512xf32>
    %select_n3A_1200 = arith.select %eq3A_1194, %add3A_1065, %select_n3A_1191 : vector<64x512xi1>, vector<64x512xf32>
    %eq3A_1201 = arith.constant 7 : i32
    %eq3A_1202 = vector.broadcast %eq3A_1201 : i32 to vector<64x512xi32>
    %eq3A_1203 = arith.cmpi eq, %min3A_1140, %eq3A_1202 : vector<64x512xi32>
    %select_n3A_1204 = arith.select %eq3A_1203, %add3A_799, %select_n3A_1195 : vector<64x512xi1>, vector<64x512xf32>
    %select_n3A_1205 = arith.select %eq3A_1203, %sub3A_811, %select_n3A_1196 : vector<64x512xi1>, vector<64x512xf32>
    %select_n3A_1206 = arith.select %eq3A_1203, %add3A_920, %select_n3A_1197 : vector<64x512xi1>, vector<64x512xf32>
    %select_n3A_1207 = arith.select %eq3A_1203, %sub3A_932, %select_n3A_1198 : vector<64x512xi1>, vector<64x512xf32>
    %select_n3A_1208 = arith.select %eq3A_1203, %add3A_1065, %select_n3A_1199 : vector<64x512xi1>, vector<64x512xf32>
    %jit3A_1209 = arith.constant 1.000000e+00 : f32
    %broadcast_in_dim3A_1210 = vector.broadcast %jit3A_1209 : f32 to vector<64x512xf32>
    %select_n3A_1211 = arith.select %eq3A_1203, %broadcast_in_dim3A_1210, %select_n3A_1200 : vector<64x512xi1>, vector<64x512xf32>
    %div3A_1212 = arith.divf %select_n3A_1207, %select_n3A_1205 : vector<64x512xf32>
    %sub3A_1213 = arith.subf %slice3A, %select_n3A_1204 : vector<64x512xf32>
    %div3A_1214 = arith.divf %sub3A_1213, %select_n3A_1205 : vector<64x512xf32>
    %sub3A_1215 = arith.constant 1.000000e+00 : f32
    %sub3A_1216 = vector.broadcast %sub3A_1215 : f32 to vector<64x512xf32>
    %sub3A_1217 = arith.subf %sub3A_1216, %div3A_1214 : vector<64x512xf32>
    %mul3A_1218 = arith.mulf %div3A_1214, %sub3A_1217 : vector<64x512xf32>
    %mul3A_1219 = arith.mulf %div3A_1214, %div3A_1214 : vector<64x512xf32>
    %mul3A_1220 = arith.mulf %div3A_1212, %mul3A_1219 : vector<64x512xf32>
    %mul3A_1221 = arith.mulf %select_n3A_1208, %mul3A_1218 : vector<64x512xf32>
    %add3A_1222 = arith.addf %mul3A_1220, %mul3A_1221 : vector<64x512xf32>
    %mul3A_1223 = arith.mulf %select_n3A_1207, %add3A_1222 : vector<64x512xf32>
    %add3A_1224 = arith.addf %select_n3A_1208, %select_n3A_1211 : vector<64x512xf32>
    %mul3A_1225 = arith.constant 2.000000e+00 : f32
    %mul3A_1226 = vector.broadcast %mul3A_1225 : f32 to vector<64x512xf32>
    %mul3A_1227 = arith.mulf %mul3A_1226, %div3A_1212 : vector<64x512xf32>
    %sub3A_1228 = arith.subf %add3A_1224, %mul3A_1227 : vector<64x512xf32>
    %mul3A_1229 = arith.mulf %sub3A_1228, %mul3A_1218 : vector<64x512xf32>
    %add3A_1230 = arith.addf %div3A_1212, %mul3A_1229 : vector<64x512xf32>
    %div3A_1231 = arith.divf %mul3A_1223, %add3A_1230 : vector<64x512xf32>
    %add3A_1232 = arith.addf %select_n3A_1206, %div3A_1231 : vector<64x512xf32>
    %mul3A_1233 = arith.mulf %div3A_1212, %div3A_1212 : vector<64x512xf32>
    %mul3A_1234 = arith.mulf %select_n3A_1211, %mul3A_1219 : vector<64x512xf32>
    %mul3A_1235 = arith.constant 2.000000e+00 : f32
    %mul3A_1236 = vector.broadcast %mul3A_1235 : f32 to vector<64x512xf32>
    %mul3A_1237 = arith.mulf %mul3A_1236, %div3A_1212 : vector<64x512xf32>
    %mul3A_1238 = arith.mulf %mul3A_1237, %mul3A_1218 : vector<64x512xf32>
    %add3A_1239 = arith.addf %mul3A_1234, %mul3A_1238 : vector<64x512xf32>
    %sub3A_1240 = arith.constant 1.000000e+00 : f32
    %sub3A_1241 = vector.broadcast %sub3A_1240 : f32 to vector<64x512xf32>
    %sub3A_1242 = arith.subf %sub3A_1241, %div3A_1214 : vector<64x512xf32>
    %mul3A_1243 = arith.mulf %select_n3A_1208, %sub3A_1242 : vector<64x512xf32>
    %sub3A_1244 = arith.constant 1.000000e+00 : f32
    %sub3A_1245 = vector.broadcast %sub3A_1244 : f32 to vector<64x512xf32>
    %sub3A_1246 = arith.subf %sub3A_1245, %div3A_1214 : vector<64x512xf32>
    %mul3A_1247 = arith.mulf %mul3A_1243, %sub3A_1246 : vector<64x512xf32>
    %add3A_1248 = arith.addf %add3A_1239, %mul3A_1247 : vector<64x512xf32>
    %mul3A_1249 = arith.mulf %mul3A_1233, %add3A_1248 : vector<64x512xf32>
    %log3A_1250 = math.log %mul3A_1249 : vector<64x512xf32>
    %log3A_1251 = math.log %add3A_1230 : vector<64x512xf32>
    %mul3A_1252 = arith.constant 2.000000e+00 : f32
    %mul3A_1253 = vector.broadcast %mul3A_1252 : f32 to vector<64x512xf32>
    %mul3A_1254 = arith.mulf %mul3A_1253, %log3A_1251 : vector<64x512xf32>
    %sub3A_1255 = arith.subf %log3A_1250, %mul3A_1254 : vector<64x512xf32>
    %ge3A_1256 = arith.constant -3.000000e+00 : f32
    %ge3A_1257 = vector.broadcast %ge3A_1256 : f32 to vector<64x512xf32>
    %ge3A_1258 = arith.cmpf oge, %slice3A, %ge3A_1257 : vector<64x512xf32>
    %le3A_1259 = arith.constant 3.000000e+00 : f32
    %le3A_1260 = vector.broadcast %le3A_1259 : f32 to vector<64x512xf32>
    %le3A_1261 = arith.cmpf ole, %slice3A, %le3A_1260 : vector<64x512xf32>
    %and3A_1262 = arith.andi %ge3A_1258, %le3A_1261 : vector<64x512xi1>
    %select_n3A_1263 = arith.select %and3A_1262, %add3A_1232, %slice3A : vector<64x512xi1>, vector<64x512xf32>
    %jit3A_1264 = arith.constant 0.000000e+00 : f32
    %broadcast_in_dim3A_1265 = vector.broadcast %jit3A_1264 : f32 to vector<64x512xf32>
    %select_n3A_1266 = arith.select %and3A_1262, %sub3A_1255, %broadcast_in_dim3A_1265 : vector<64x512xi1>, vector<64x512xf32>
    %swap3A = arith.constant 0 : index
    %swap3A_1267 = arith.constant 0 : index
    %swap3A_1268 = vector.load %arg14[%swap3A, %swap3A_1267] : memref<128x512xf32, #tpu.memory_space<vmem>>, vector<64x512xf32>
    tpu.vector_store %arg14[%swap3A, %swap3A_1267], %select_n3A_1263 {strides = array<i32>} : memref<128x512xf32, #tpu.memory_space<vmem>>, vector<64x512xf32>,
    %swap3A_1269 = arith.constant 64 : index
    %swap3A_1270 = arith.constant 0 : index
    %swap3A_1271 = vector.load %arg14[%swap3A_1269, %swap3A_1270] : memref<128x512xf32, #tpu.memory_space<vmem>>, vector<64x512xf32>
    tpu.vector_store %arg14[%swap3A_1269, %swap3A_1270], %select_n3A_620 {strides = array<i32>} : memref<128x512xf32, #tpu.memory_space<vmem>>, vector<64x512xf32>,
    %reduce_sum3A = arith.constant dense<0.000000e+00> : vector<512xf32>
    %reduce_sum3A_1272 = vector.multi_reduction <add>, %select_n3A_623, %reduce_sum3A [0] : vector<64x512xf32> to vector<512xf32>
    %broadcast_in_dim3A_1273 = vector.shape_cast %reduce_sum3A_1272 : vector<512xf32> to vector<1x512xf32>
    %reduce_sum3A_1274 = arith.constant dense<0.000000e+00> : vector<512xf32>
    %reduce_sum3A_1275 = vector.multi_reduction <add>, %select_n3A_1266, %reduce_sum3A_1274 [0] : vector<64x512xf32> to vector<512xf32>
    %broadcast_in_dim3A_1276 = vector.shape_cast %reduce_sum3A_1275 : vector<512xf32> to vector<1x512xf32>
    %add3A_1277 = arith.addf %broadcast_in_dim3A_1273, %broadcast_in_dim3A_1276 : vector<1x512xf32>
    %swap3A_1278 = arith.constant 0 : index
    %swap3A_1279 = arith.constant 0 : index
    %swap3A_1280 = vector.load %arg15[%swap3A_1278, %swap3A_1279] : memref<1x512xf32, #tpu.memory_space<vmem>>, vector<1x512xf32>
    tpu.vector_store %arg15[%swap3A_1278, %swap3A_1279], %add3A_1277 {strides = array<i32>} : memref<1x512xf32, #tpu.memory_space<vmem>>, vector<1x512xf32>,
    return
  }
  func.func @transform_0(%arg0: i32) -> (i32, i32) {
    %c0_i32 = arith.constant 0 : i32
    %c0_i32_0 = arith.constant 0 : i32
    return %c0_i32, %arg0 : i32, i32
  }
  func.func @transform_1(%arg0: i32) -> (i32, i32) {
    %c0_i32 = arith.constant 0 : i32
    %c0_i32_0 = arith.constant 0 : i32
    %c0_i32_1 = arith.constant 0 : i32
    return %c0_i32, %c0_i32_0 : i32, i32
  }
  func.func @transform_2(%arg0: i32) -> (i32, i32) {
    %c0_i32 = arith.constant 0 : i32
    %c0_i32_0 = arith.constant 0 : i32
    %c0_i32_1 = arith.constant 0 : i32
    return %c0_i32, %c0_i32_0 : i32, i32
  }
  func.func @transform_3(%arg0: i32) -> (i32, i32) {
    %c0_i32 = arith.constant 0 : i32
    %c0_i32_0 = arith.constant 0 : i32
    %c0_i32_1 = arith.constant 0 : i32
    return %c0_i32, %c0_i32_0 : i32, i32
  }
  func.func @transform_4(%arg0: i32) -> (i32, i32) {
    %c0_i32 = arith.constant 0 : i32
    %c0_i32_0 = arith.constant 0 : i32
    %c0_i32_1 = arith.constant 0 : i32
    return %c0_i32, %c0_i32_0 : i32, i32
  }
  func.func @transform_5(%arg0: i32) -> (i32, i32) {
    %c0_i32 = arith.constant 0 : i32
    %c0_i32_0 = arith.constant 0 : i32
    %c0_i32_1 = arith.constant 0 : i32
    return %c0_i32, %c0_i32_0 : i32, i32
  }
  func.func @transform_6(%arg0: i32) -> (i32, i32) {
    %c0_i32 = arith.constant 0 : i32
    %c0_i32_0 = arith.constant 0 : i32
    %c0_i32_1 = arith.constant 0 : i32
    return %c0_i32, %c0_i32_0 : i32, i32
  }
  func.func @transform_7(%arg0: i32) -> (i32, i32) {
    %c0_i32 = arith.constant 0 : i32
    %c0_i32_0 = arith.constant 0 : i32
    %c0_i32_1 = arith.constant 0 : i32
    return %c0_i32, %c0_i32_0 : i32, i32
  }
  func.func @transform_8(%arg0: i32) -> (i32, i32) {
    %c0_i32 = arith.constant 0 : i32
    %c0_i32_0 = arith.constant 0 : i32
    %c0_i32_1 = arith.constant 0 : i32
    return %c0_i32, %c0_i32_0 : i32, i32
  }
  func.func @transform_9(%arg0: i32) -> (i32, i32) {
    %c0_i32 = arith.constant 0 : i32
    %c0_i32_0 = arith.constant 0 : i32
    %c0_i32_1 = arith.constant 0 : i32
    return %c0_i32, %c0_i32_0 : i32, i32
  }
  func.func @transform_10(%arg0: i32) -> (i32, i32) {
    %c0_i32 = arith.constant 0 : i32
    %c0_i32_0 = arith.constant 0 : i32
    %c0_i32_1 = arith.constant 0 : i32
    return %c0_i32, %c0_i32_0 : i32, i32
  }
  func.func @transform_11(%arg0: i32) -> (i32, i32) {
    %c0_i32 = arith.constant 0 : i32
    %c0_i32_0 = arith.constant 0 : i32
    %c0_i32_1 = arith.constant 0 : i32
    return %c0_i32, %c0_i32_0 : i32, i32
  }
  func.func @transform_12(%arg0: i32) -> (i32, i32) {
    %c0_i32 = arith.constant 0 : i32
    %c0_i32_0 = arith.constant 0 : i32
    %c0_i32_1 = arith.constant 0 : i32
    return %c0_i32, %c0_i32_0 : i32, i32
  }
  func.func @transform_13(%arg0: i32) -> (i32, i32) {
    %c0_i32 = arith.constant 0 : i32
    %c0_i32_0 = arith.constant 0 : i32
    return %c0_i32, %arg0 : i32, i32
  }
  func.func @transform_14(%arg0: i32) -> (i32, i32) {
    %c0_i32 = arith.constant 0 : i32
    %c0_i32_0 = arith.constant 0 : i32
    return %c0_i32, %arg0 : i32, i32
  }
}

</mosaic_0001>

<sc_bundles>
// kernel: gather_offload_async_start.1
scs
__scs_entry_jumppad:
0x0: {  	(pc) =	sbr.rel $0x88, $3  }
0x1: {  	(tag) =	ssettag $0x0;
	lr =	simm.s32 $0x1  }
0x2: {  	[smem:$0x3F94] =	sst lr;
	_ =	strace $0xD0000000  }
0x3: {  	_ = 	snop  }
0x4: {  	_ = 	snop  }
0x5: {  	_ = 	snop  }
0x6: {  	_ = 	snop  }
0x7: {  	_ = 	snop  }
__scs_overlays_trampoline_lowered:
0x8: {  	[smem:$0x3FA3] =	sst s0  }
0x9: {  	[smem:$0x3FA4] =	sst s1  }
0xa: {  	[smem:$0x3FA5] =	sst s2  }
0xb: {  	[smem:$0x3FA6] =	sst s3  }
0xc: {  	[smem:$0x3FA7] =	sst s4  }
0xd: {  	[smem:$0x3FA8] =	sst s5  }
0xe: {  	[smem:$0x3FA9] =	sst s6  }
0xf: {  	[smem:$0x3FAA] =	sst s7  }
0x10: {  	[smem:$0x3FAB] =	sst s8  }
0x11: {  	[smem:$0x3FAC] =	sst s9;
	s0 =	simm.s32 @!p0 $0x0  }
0x12: {  	s1 =	sld [smem:$0x3F92];
	s0 =	simm.s32 @p0 $0x1  }
0x13: {  	[smem:$0x3FAD] =	sst s0;
	s0 =	simm.s32 @!p1 $0x0  }
0x14: {  	s2 =	sld [smem:$0x3F91];
	s0 =	simm.s32 @p1 $0x1  }
0x15: {  	[smem:$0x3FAE] =	sst s0;
	s0 =	simm.s32 @!p2 $0x0  }
0x16: {  	s3 =	sld [smem:$0x3FDB];
	s0 =	simm.s32 @p2 $0x1  }
0x17: {  	s4 =	simm.s32 $0x1BF5;
	[smem:$0x3FB0] =	sst s0  }
0x18: {  	s0 =	sld [smem:$0x3F93];
	_ =	swait.ge [sflag:s4], $0x0  }
0x19: {  	s7 =	sld [smem:$0x3F94]  }
0x1a: {  	s8 =	sadd.s32 $0xFFFFE003, lr  }
0x1b: {  	s9 =	sadd.s32 $0xFFFFFEF7, lr;
	s5 =	simm.s32 $0xFFFFFFFF;
	p2 =	slt.u32 s8, $0xFFFFF086  }
0x1c: {  	p1 =	slt.u32 s9, $0xF7A;
	s5 =	simm.s32 @!p2 $0x0  }
0x1d: {  	s5 =	simm.s32 @p1 $0x1;
	p0 =	seq.s32 s7, s2  }
0x1e: {  	s7 =	smul.u32 @!p0 $0xF7A, s2;
	p2 =	seq.s32 @!p0 s5, $0x0  }
0x1f: {  	s9 =	smul.u32 $0xF7A, s1;
	s8 =	simm.s32 @!p0 $0x1BF5;
	p2 =	por !p2, p0  }
0x20: {  	[sflag:s8] =	ssyncset.s32 @!p0 $0xFFFFF086;
	s6 =	sadd.s32 @!p0 s3, s7;
	s7 =	simm.s32 @!p0 $0x108  }
0x21: {  	s3 =	sadd.s32 s3, s9;
	s6 =	sadd.s32 @!p0 $0x88, s6;
	s7 =	simm.s32 @p2 $0x1082  }
0x22: {  	[simem:s7], [sflag:s8] =	dma.local @!p0 [hbm:s6], $0xF7A  }
0x23: {  	s9 =	sor.u32 $0xD0000000, s2;
	s6 =	simm.s32 $0x108;
	_ =	swait.ge @!p0 [sflag:s8], $0x0  }
0x24: {  	s3 =	sadd.s32 $0x88, s3;
	s6 =	simm.s32 @!p1 $0x1082;
	[sflag:s4] =	ssyncset.s32 $0xFFFFF086  }
0x25: {  	[simem:s6], [sflag:s4] =	dma.local [hbm:s3], $0xF7A  }
0x26: {  	[smem:$0x3F94] =	sst s1;
	(tag) =	ssettag s2;
	_ =	strace s9  }
0x27: {  	s1 =	sld [smem:$0x3FA4]  }
0x28: {  	s2 =	sld [smem:$0x3FA5]  }
0x29: {  	s4 =	sld [smem:$0x3FA7]  }
0x2a: {  	p0 =	seq.s32 s5, $0x0;
	s5 =	sld [smem:$0x3FA8]  }
0x2b: {  	s6 =	sld [smem:$0x3FA9]  }
0x2c: {  	s7 =	sld [smem:$0x3FAA]  }
0x2d: {  	s3 =	simm.s32 $0x108;
	s8 =	sld [smem:$0x3FAB]  }
0x2e: {  	s3 =	simm.s32 @!p0 $0x1082;
	s9 =	sld [smem:$0x3FAC]  }
0x2f: {  	lr =	sadd.s32 s0, s3;
	s0 =	sld [smem:$0x3FA3]  }
0x30: {  	s3 =	sld [smem:$0x3FA6]  }
0x31: {  	[smem:$0x3FAF] =	sst s10  }
0x32: {  	s10 =	sld [smem:$0x3FAD];
	_ =	sdelay $0x3  }
0x33: {  	p0 =	seq.s32 s10, $0x1;
	s10 =	sld [smem:$0x3FAF];
	_ =	sdelay $0x3  }
0x34: {  	[smem:$0x3FAF] =	sst s10  }
0x35: {  	s10 =	sld [smem:$0x3FAE];
	_ =	sdelay $0x3  }
0x36: {  	p1 =	seq.s32 s10, $0x1;
	s10 =	sld [smem:$0x3FAF];
	_ =	sdelay $0x3  }
0x37: {  	[smem:$0x3FAF] =	sst s10  }
0x38: {  	s10 =	sld [smem:$0x3FB0]  }
0x39: {  	_ = 	snop;
	(pc) =	sbr.ind lr, $3  }
0x3a: {  	_ = 	snop  }
0x3b: {  	_ = 	snop  }
0x3c: {  	p2 =	seq.s32 s10, $0x1;
	s10 =	sld [smem:$0x3FAF]  }
0x3d: {  	_ =	shalt  }
0x3e: {  	_ =	shalt  }
0x3f: {  	_ =	shalt  }
0x40: {  	_ =	shalt  }
0x41: {  	_ =	shalt  }
0x42: {  	_ =	shalt  }
0x43: {  	_ =	shalt  }
0x44: {  	_ =	shalt  }
0x45: {  	_ =	shalt  }
0x46: {  	_ =	shalt  }
0x47: {  	_ =	shalt  }
0x48: {  	_ =	shalt  }
0x49: {  	_ =	shalt  }
0x4a: {  	_ =	shalt  }
0x4b: {  	_ =	shalt  }
0x4c: {  	_ =	shalt  }
0x4d: {  	_ =	shalt  }
0x4e: {  	_ =	shalt  }
0x4f: {  	_ =	shalt  }
0x50: {  	_ =	shalt  }
0x51: {  	_ =	shalt  }
0x52: {  	_ =	shalt  }
0x53: {  	_ =	shalt  }
0x54: {  	_ =	shalt  }
0x55: {  	_ =	shalt  }
0x56: {  	_ =	shalt  }
0x57: {  	_ =	shalt  }
0x58: {  	_ =	shalt  }
0x59: {  	_ =	shalt  }
0x5a: {  	_ =	shalt  }
0x5b: {  	_ =	shalt  }
0x5c: {  	_ =	shalt  }
0x5d: {  	_ =	shalt  }
0x5e: {  	_ =	shalt  }
0x5f: {  	_ =	shalt  }
0x60: {  	_ =	shalt  }
0x61: {  	_ =	shalt  }
0x62: {  	_ =	shalt  }
0x63: {  	_ =	shalt  }
0x64: {  	_ =	shalt  }
0x65: {  	_ =	shalt  }
0x66: {  	_ =	shalt  }
0x67: {  	_ =	shalt  }
0x68: {  	_ =	shalt  }
0x69: {  	_ =	shalt  }
0x6a: {  	_ =	shalt  }
0x6b: {  	_ =	shalt  }
0x6c: {  	_ =	shalt  }
0x6d: {  	_ =	shalt  }
0x6e: {  	_ =	shalt  }
0x6f: {  	_ =	shalt  }
0x70: {  	_ =	shalt  }
0x71: {  	_ =	shalt  }
0x72: {  	_ =	shalt  }
0x73: {  	_ =	shalt  }
0x74: {  	_ =	shalt  }
0x75: {  	_ =	shalt  }
0x76: {  	_ =	shalt  }
0x77: {  	_ =	shalt  }
0x78: {  	_ =	shalt  }
0x79: {  	_ =	shalt  }
0x7a: {  	_ =	shalt  }
0x7b: {  	_ =	shalt  }
0x7c: {  	_ =	shalt  }
0x7d: {  	_ =	shalt  }
0x7e: {  	_ =	shalt  }
0x7f: {  	_ =	shalt  }
0x80: {  	_ =	shalt  }
0x81: {  	_ =	shalt  }
0x82: {  	_ =	shalt  }
0x83: {  	_ =	shalt  }
0x84: {  	_ =	shalt  }
0x85: {  	_ =	shalt  }
0x86: {  	_ =	shalt  }
0x87: {  	_ =	shalt  }
.Lfunc_end0:
.L_simem_size_0:
called_computation.1_lowered:
.L_overlay_start_0:
0x88: {  	s2 =	sld [smem:$0x3FD9]  }
0x89: {  	s3 =	sld [smem:$0x3FFE];
	_ =	sdelay $0x1  }
0x8a: {  	s1 =	srdreg.scid  }
0x8b: {  	s0 =	sand.u32 $0x1, s1  }
0x8c: {  	s14 =	sshll.u32 s0, $0xA;
	s2 =	sadd.s32 s3, s2  }
0x8d: {  	s2 =	sadd.s32 s2, s14  }
0x8e: {  	[smem:$0x3FBB] =	sst s2  }
0x8f: {  	_ = 	snop  }
0x90: {  	s2 =	sld [smem:$0x3FD0];
	_ =	sdelay $0x2  }
0x91: {  	s4 =	simm.s32 $0xD;
	s5 =	simm.s32 $0x10;
	s15 =	sld [smem:$0x3FC3]  }
0x92: {  	[smem:s5], [sflag:s4] =	dma.local [hbm:s2], $0x1  }
0x93: {  	_ =	swait.eq [sflag:s4], $0x1  }
0x94: {  	[sflag:s4] =	ssyncset.done $0x0  }
0x95: {  	[sflag:s4] =	ssyncadd.s32 $0xFFFFFFFF  }
0x96: {  	s16 =	sld [smem:$0x11];
	(tm) =	ssettm $0x1  }
0x97: {  	s17 =	sld [smem:$0x3FFB];
	_ =	sdelay $0x3  }
0x98: {  	_ =	strace s17  }
0x99: {  	s4 =	sld [smem:$0x3FFC];
	_ =	sdelay $0x3  }
0x9a: {  	_ =	strace s4  }
0x9b: {  	s4 =	sld [smem:$0x3FFD];
	_ =	sdelay $0x3  }
0x9c: {  	_ =	strace s4  }
0x9d: {  	_ =	strace $0x8FFFFFFF  }
0x9e: {  	s18 =	sld [smem:$0x3FDB];
	_ =	sdelay $0x1  }
0x9f: {  	s19 =	simm.s32 $_scs_section_size  }
0xa0: {  	s6 =	simm.s32 $_size__tile_overlayer_lowered;
	s7 =	simm.s32 $_tile_overlayer_lowered  }
0xa1: {  	s22 =	simm.s32 $0x1BFF;
	s21 =	sshll.u32 s7, $0x1;
	s4 =	sadd.s32 s19, s18  }
0xa2: {  	s8 =	simm.s32 $0x0;
	s20 =	sshll.u32 s6, $0x1;
	s6 =	sadd.s32 s21, s4  }
0xa3: {  	[timem:s8], [sflag:s22] =	dma.local [hbm:s6], s20  }
0xa4: {  	_ =	swait.ge [sflag:s22], s20  }
0xa5: {  	s5 =	ssub.s32 $0x0, s20;
	[sflag:s22] =	ssyncset.done $0x0  }
0xa6: {  	[sflag:s22] =	ssyncadd.s32 s5;
	_ =	sdelay $0x1  }
0xa7: {  	s23 =	simm.s32 $0x1B8B  }
0xa8: {  	_ =	swait.ge [sflag:s23], $0x1  }
0xa9: {  	[sflag:s23] =	ssyncset.done $0x0  }
0xaa: {  	s25 =	simm.s32 $0x1B8E;
	s24 =	sld [smem:$0x3FFE];
	[sflag:s23] =	ssyncadd.s32 $0xFFFFFFFF  }
0xab: {  	s26 =	simm.s32 $execute0_lowered;
	[smem:$0x3FD2] =	sst s25  }
0xac: {  	s6 =	sshll.u32 s26, $0x1;
	_ =	strace $0x80000046;
	[dreg:$0x1] =	wrdreg $0xFFFFFFFF  }
0xad: {  	s28 =	simm.s32 $_size_execute0_lowered;
	s4 =	sadd.s32 s4, s6;
	[dreg:$0x0] =	wrdreg $0x0  }
0xae: {  	s6 =	sshll.u32 s28, $0x1;
	[dreg:$0x2] =	wrdreg s4  }
0xaf: {  	[dreg:$0x3] =	wrdreg s6  }
0xb0: {  	[dreg:$0x4] =	wrdreg $0xC0  }
0xb1: {  	_ =	task [dreg:s8], $0x5FFFF  }
0xb2: {  	[dreg:$0x1] =	wrdreg $0xFFFFFFFF  }
0xb3: {  	[dreg:$0x0] =	wrdreg $0x60  }
0xb4: {  	[dreg:$0x2] =	wrdreg s15  }
0xb5: {  	[dreg:$0x3] =	wrdreg s16  }
0xb6: {  	[dreg:$0x4] =	wrdreg s24  }
0xb7: {  	[dreg:$0x5] =	wrdreg $0xA  }
0xb8: {  	_ =	task.clear_ibuf [dreg:s8], $0x6FFFF;
	_ =	strace $0x90000046  }
0xb9: {  	s29 =	simm.s32 $0xA;
	_ =	strace $0x80000048  }
0xba: {  	_ =	swait.ge [sflag:s29], $0x1  }
0xbb: {  	[sflag:s29] =	ssyncadd.s32 $0xFFFFFFFF  }
0xbc: {  	_ =	strace $0x90000048  }
0xbd: {  	_ =	sfence  }
0xbe: {  	s30 =	sld [smem:$0x0];
	_ =	sdelay $0x2  }
0xbf: {  	s31 =	sshll.u32 s1, $0xD;
	s1 =	sshrl.u32 s1, $0x2  }
0xc0: {  	s3 =	sand.u32 $0x4000, s31;
	s1 =	sadd.s32 s1, s30  }
0xc1: {  	s0 =	sor.u32 s3, s0;
	s1 =	sshll.u32 s1, $0x11  }
0xc2: {  	s0 =	sor.u32 s1, s0  }
0xc3: {  	s0 =	sadd.s32 $0x8F2B, s0  }
0xc4: {  	[sflag:s0] =	ssyncadd.remote.s32 $0x1  }
0xc5: {  	_ =	sfence.sel $0xFFFF  }
0xc6: {  	[dreg:$0x0] =	wrdreg $0xFFFFFFFF;
	(pc) =	sbr.abs _section_cstart, $3  }
0xc7: {  	[dreg:$0x1] =	wrdreg $0xFFFFFFFF  }
0xc8: {  	_ =	task.clear_ibuf [dreg:s8], $0x2FFFF;
	_ =	strace $0x9FFFFFFF  }
0xc9: {  	(tm) =	ssettm $0x7FFFFFFF  }
tec
execute0_lowered:
.L_overlay_start_1:
0x0: {  	(tag) =	ssettag $0x1  }
0x1: {  	s1 =	srdreg.scid;
	s2 =	rddreg [dreg:$0x0]  }
0x2: {  	s0 =	stileid.u32;
	s3 =	rddreg [dreg:$0x1];
	s1 =	sshll.u32 s1, $0x5  }
0x3: {  	s6 =	rddreg [dreg:$0x2];
	s4 =	sshll.u32 s0, $0x6;
	s1 =	sand.u32 $0x20, s1  }
0x4: {  	s7 =	simm.s32 $0x1;
	s30 =	simm.s32 $0x2;
	s4 =	sor.u32 s4, s1  }
0x5: {  	s31 =	simm.s32 $0x3;
	s11 =	simm.s32 $0x0;
	s5 =	ssub.s32 $0x5C0, s4  }
0x6: {  	s9 =	simm.s32 $0x0;
	s6 =	sadd.s32 $0x2E00, s6;
	s8 =	sand.u32 $0x3E0, s5  }
0x7: {  	s1 =	rddreg [dreg:$0x3];
	_ =	strace $0x80000047;
	p0 =	sne.s32 s8, $0x0  }
0x8: {  	[sflag:s7] =	ssyncpa.u1 $0x0;
	s5 =	sshrl.u32 s5, $0xA;
	s7 =	simm.s32 @!p0 $0x0  }
0x9: {  	s10 =	smov.u32 s4;
	[sflag:s30] =	ssyncpa.u1 $0x0;
	s5 =	sadd.s32 s7, s5  }
0xa: {  	[sflag:s31] =	ssyncpa.u1 $0x0;
	s8 =	simm.s32 $0x0;
	s7 =	sadd.s32 $0x1, s5  }
.LBB2_1:
0xb: {  	p0 =	sge.u32 s9, s5  }
0xc: {  	s31 =	sadd.s32 $0xFFFFFFFF, s9;
	s12 =	sxor.u32 @!p0 $0xFFFFFFFF, s8;
	s13 =	sshrl.u32 @!p0 s10, $0x3  }
0xd: {  	s14 =	sand.u32 @!p0 $0x7, s10;
	s12 =	sand.u32 @!p0 $0x20, s12;
	s13 =	sadd.s32 @!p0 s3, s13  }
0xe: {  	[tilespmem:s12], [sflag:$0x2] =	stream.linear.gather @!p0 [hbm4b:s13+s14], $0x20, $0x38;
	[tilespmem:$0x80] =	vst v63  }
0xf: {  	p0 =	sge.u32 s31, s5  }
0x10: {  	s12 =	simm.s32 @!p0 $0x2  }
0x11: {  	_ =	swait.ge @!p0 [sflag:s12], $0x20  }
0x12: {  	[sflag:s12] =	ssyncset.done @!p0 $0x0  }
0x13: {  	[sflag:s12] =	ssyncadd.s32 @!p0 $0xFFFFFFE0;
	s12 =	sand.u32 @!p0 $0x20, s8  }
0x14: {  	(ifvalue) =	ssetifvalue @!p0 $0x7FFFFFFF;
	v0 =	vld.msk @!p0 [tilespmem:s12+$0x0 ss:$0x1], $0xffff;
	_ =	sdelay $0x4  }
0x15: {  	vm0 =	vgt.s32 @!p0 v0, $0x0  }
0x16: {  	v0 =	vnsel @!p0 vm0, $0x0, v0  }
0x17: {  	v0 =	vmin.u32 @!p0 v0, $0x5BF;
	_ =	sdelay $0x2  }
0x18: {  	s14 =	simm.s32 @!p0 $0x0  }
0x19: {  	s13 =	sor.u32 @!p0 $0x40, s12;
	(ifvalue) =	ssetifvalue @!p0 $0x7FFFFFFF;
	s15 =	sor.u32 @!p0 $0x10, s12;
	vm0 =	vmmov @!p0 $0xffff  }
0x1a: {  	[tilespmem:s13], [sflag:$0x1] =	stream.indirect_vreg.gather @!p0 [hbm4b:s2+s14], $0x1, v0, vm0, $0x4038;
	[tilespmem:$0x80] =	vst v63  }
0x1b: {  	v0 =	vld.msk @!p0 [tilespmem:s15+$0x0 ss:$0x1], $0xffff;
	_ =	sdelay $0x4  }
0x1c: {  	vm1 =	vgt.s32 @!p0 v0, $0x0  }
0x1d: {  	v0 =	vnsel @!p0 vm1, $0x0, v0  }
0x1e: {  	v0 =	vmin.u32 @!p0 v0, $0x5BF;
	_ =	sdelay $0x3  }
0x1f: {  	s12 =	sor.u32 @!p0 $0x50, s12;
	(ifvalue) =	ssetifvalue @!p0 $0x7FFFFFFF  }
0x20: {  	[tilespmem:s12], [sflag:$0x1] =	stream.indirect_vreg.gather @!p0 [hbm4b:s2+s14], $0x1, v0, vm0, $0x4038;
	[tilespmem:$0x80] =	vst v63  }
0x21: {  	s12 =	simm.s32 @!p0 $0x1  }
0x22: {  	_ =	swait.ge @!p0 [sflag:s12], $0x20  }
0x23: {  	s14 =	sshrl.u32 @!p0 s11, $0x3;
	[sflag:s12] =	ssyncset.done @!p0 $0x0  }
0x24: {  	s11 =	sand.u32 @!p0 $0x7, s11;
	[sflag:s12] =	ssyncadd.s32 @!p0 $0xFFFFFFE0;
	s12 =	sadd.s32 @!p0 s6, s14  }
0x25: {  	[hbm4b:s12+s11] =	stream.linear.scatter @!p0 [tilespmem:s13], [sflag:$0x3], $0x20, $0x38;
	[tilespmem:$0x80] =	vst v63  }
0x26: {  	s13 =	sadd.s32 $0x400, s10  }
0x27: {  	p1 =	sgt.s32 s13, $0x5BF  }
0x28: {  	s13 =	smov.u32 @p1 s4;
	p1 =	sne.s32 s9, s7  }
.Ltmp0:
0x29: {  	p0 =	slt.u32 s9, $0x2;
	(pc) =	sbr.rel @p1 .LBB2_1-.Ltmp0, $4  }
0x2a: {  	s12 =	simm.s32 @!p0 $0x3  }
0x2b: {  	_ =	swait.ge @!p0 [sflag:s12], $0x20  }
0x2c: {  	s8 =	sadd.s32 $0x20, s8;
	s11 =	smov.u32 s10;
	[sflag:s12] =	ssyncset.done @!p0 $0x0  }
0x2d: {  	s9 =	sadd.s32 $0x1, s9;
	s10 =	smov.u32 s13;
	[sflag:s12] =	ssyncadd.s32 @!p0 $0xFFFFFFE0  }
0x2e: {  	_ =	sfence.sel $0x180000  }
0x2f: {  	s2 =	simm.s32 $0x2;
	[bflag:$0x0] =	sbarrier.arrive $0xFFFF  }
0x30: {  	s30 =	simm.s32 $0x3;
	[sflag:s2] =	ssyncpa.u1 $0x1  }
0x31: {  	s31 =	simm.s32 $0x1;
	[sflag:s30] =	ssyncpa.u1 $0x1  }
0x32: {  	[sflag:s31] =	ssyncpa.u1 $0x1  }
0x33: {  	p0 =	sne.s32 s0, $0x0;
	_ =	strace $0x90000047  }
0x34: {  	s0 =	sadd.s32 @!p0 $0x100000, s1;
	[bflag:$0x2] =	sbarrier.arrive $0xFFFF  }
0x35: {  	[sflag:s0] =	ssyncadd.tile.s32 @!p0 $0x1;
	_ =	shalt  }
.Lfunc_end2:
_tile_overlayer_lowered:
.L_overlay_start_2:
0x36: {  	(tag) =	ssettag $0x2  }
0x37: {  	s0 =	rddreg [dreg:$0x0];
	s2 =	stileid.u32  }
0x38: {  	s1 =	rddreg [dreg:$0x1];
	p0 =	sne.s32 s2, $0x0  }
0x39: {  	s3 =	rddreg [dreg:$0x2];
	[bflag:$0x3] =	sbarrier.arrive $0xFFFF;
	s2 =	simm.s32 @!p0 $0x1C01  }
0x3a: {  	[timem:s3], [sflag:s2] =	dma.local @!p0 [hbm:s0], s1  }
0x3b: {  	s0 =	simm.s32 @!p0 $0x1  }
0x3c: {  	_ =	swait.ge @!p0 [sflag:s0], s1  }
0x3d: {  	s1 =	ssub.s32 @!p0 $0x0, s1;
	[sflag:s0] =	ssyncset.done @!p0 $0x0  }
0x3e: {  	[sflag:s0] =	ssyncadd.s32 @!p0 s1  }
0x3f: {  	[bflag:$0x3] =	sbarrier.arrive $0xFFFF  }
0x40: {  	_ =	shalt  }

// kernel: gather_offload_async_start.2
scs
__scs_entry_jumppad:
0x0: {  	(pc) =	sbr.rel $0x88, $3  }
0x1: {  	(tag) =	ssettag $0x0;
	lr =	simm.s32 $0x1  }
0x2: {  	[smem:$0x3F94] =	sst lr;
	_ =	strace $0xD0000000  }
0x3: {  	_ = 	snop  }
0x4: {  	_ = 	snop  }
0x5: {  	_ = 	snop  }
0x6: {  	_ = 	snop  }
0x7: {  	_ = 	snop  }
__scs_overlays_trampoline_lowered:
0x8: {  	[smem:$0x3FA3] =	sst s0  }
0x9: {  	[smem:$0x3FA4] =	sst s1  }
0xa: {  	[smem:$0x3FA5] =	sst s2  }
0xb: {  	[smem:$0x3FA6] =	sst s3  }
0xc: {  	[smem:$0x3FA7] =	sst s4  }
0xd: {  	[smem:$0x3FA8] =	sst s5  }
0xe: {  	[smem:$0x3FA9] =	sst s6  }
0xf: {  	[smem:$0x3FAA] =	sst s7  }
0x10: {  	[smem:$0x3FAB] =	sst s8  }
0x11: {  	[smem:$0x3FAC] =	sst s9;
	s0 =	simm.s32 @!p0 $0x0  }
0x12: {  	s1 =	sld [smem:$0x3F92];
	s0 =	simm.s32 @p0 $0x1  }
0x13: {  	[smem:$0x3FAD] =	sst s0;
	s0 =	simm.s32 @!p1 $0x0  }
0x14: {  	s2 =	sld [smem:$0x3F91];
	s0 =	simm.s32 @p1 $0x1  }
0x15: {  	[smem:$0x3FAE] =	sst s0;
	s0 =	simm.s32 @!p2 $0x0  }
0x16: {  	s3 =	sld [smem:$0x3FDB];
	s0 =	simm.s32 @p2 $0x1  }
0x17: {  	s4 =	simm.s32 $0x1BF5;
	[smem:$0x3FB0] =	sst s0  }
0x18: {  	s0 =	sld [smem:$0x3F93];
	_ =	swait.ge [sflag:s4], $0x0  }
0x19: {  	s7 =	sld [smem:$0x3F94]  }
0x1a: {  	s8 =	sadd.s32 $0xFFFFE003, lr  }
0x1b: {  	s9 =	sadd.s32 $0xFFFFFEF7, lr;
	s5 =	simm.s32 $0xFFFFFFFF;
	p2 =	slt.u32 s8, $0xFFFFF086  }
0x1c: {  	p1 =	slt.u32 s9, $0xF7A;
	s5 =	simm.s32 @!p2 $0x0  }
0x1d: {  	s5 =	simm.s32 @p1 $0x1;
	p0 =	seq.s32 s7, s2  }
0x1e: {  	s7 =	smul.u32 @!p0 $0xF7A, s2;
	p2 =	seq.s32 @!p0 s5, $0x0  }
0x1f: {  	s9 =	smul.u32 $0xF7A, s1;
	s8 =	simm.s32 @!p0 $0x1BF5;
	p2 =	por !p2, p0  }
0x20: {  	[sflag:s8] =	ssyncset.s32 @!p0 $0xFFFFF086;
	s6 =	sadd.s32 @!p0 s3, s7;
	s7 =	simm.s32 @!p0 $0x108  }
0x21: {  	s3 =	sadd.s32 s3, s9;
	s6 =	sadd.s32 @!p0 $0x88, s6;
	s7 =	simm.s32 @p2 $0x1082  }
0x22: {  	[simem:s7], [sflag:s8] =	dma.local @!p0 [hbm:s6], $0xF7A  }
0x23: {  	s9 =	sor.u32 $0xD0000000, s2;
	s6 =	simm.s32 $0x108;
	_ =	swait.ge @!p0 [sflag:s8], $0x0  }
0x24: {  	s3 =	sadd.s32 $0x88, s3;
	s6 =	simm.s32 @!p1 $0x1082;
	[sflag:s4] =	ssyncset.s32 $0xFFFFF086  }
0x25: {  	[simem:s6], [sflag:s4] =	dma.local [hbm:s3], $0xF7A  }
0x26: {  	[smem:$0x3F94] =	sst s1;
	(tag) =	ssettag s2;
	_ =	strace s9  }
0x27: {  	s1 =	sld [smem:$0x3FA4]  }
0x28: {  	s2 =	sld [smem:$0x3FA5]  }
0x29: {  	s4 =	sld [smem:$0x3FA7]  }
0x2a: {  	p0 =	seq.s32 s5, $0x0;
	s5 =	sld [smem:$0x3FA8]  }
0x2b: {  	s6 =	sld [smem:$0x3FA9]  }
0x2c: {  	s7 =	sld [smem:$0x3FAA]  }
0x2d: {  	s3 =	simm.s32 $0x108;
	s8 =	sld [smem:$0x3FAB]  }
0x2e: {  	s3 =	simm.s32 @!p0 $0x1082;
	s9 =	sld [smem:$0x3FAC]  }
0x2f: {  	lr =	sadd.s32 s0, s3;
	s0 =	sld [smem:$0x3FA3]  }
0x30: {  	s3 =	sld [smem:$0x3FA6]  }
0x31: {  	[smem:$0x3FAF] =	sst s10  }
0x32: {  	s10 =	sld [smem:$0x3FAD];
	_ =	sdelay $0x3  }
0x33: {  	p0 =	seq.s32 s10, $0x1;
	s10 =	sld [smem:$0x3FAF];
	_ =	sdelay $0x3  }
0x34: {  	[smem:$0x3FAF] =	sst s10  }
0x35: {  	s10 =	sld [smem:$0x3FAE];
	_ =	sdelay $0x3  }
0x36: {  	p1 =	seq.s32 s10, $0x1;
	s10 =	sld [smem:$0x3FAF];
	_ =	sdelay $0x3  }
0x37: {  	[smem:$0x3FAF] =	sst s10  }
0x38: {  	s10 =	sld [smem:$0x3FB0]  }
0x39: {  	_ = 	snop;
	(pc) =	sbr.ind lr, $3  }
0x3a: {  	_ = 	snop  }
0x3b: {  	_ = 	snop  }
0x3c: {  	p2 =	seq.s32 s10, $0x1;
	s10 =	sld [smem:$0x3FAF]  }
0x3d: {  	_ =	shalt  }
0x3e: {  	_ =	shalt  }
0x3f: {  	_ =	shalt  }
0x40: {  	_ =	shalt  }
0x41: {  	_ =	shalt  }
0x42: {  	_ =	shalt  }
0x43: {  	_ =	shalt  }
0x44: {  	_ =	shalt  }
0x45: {  	_ =	shalt  }
0x46: {  	_ =	shalt  }
0x47: {  	_ =	shalt  }
0x48: {  	_ =	shalt  }
0x49: {  	_ =	shalt  }
0x4a: {  	_ =	shalt  }
0x4b: {  	_ =	shalt  }
0x4c: {  	_ =	shalt  }
0x4d: {  	_ =	shalt  }
0x4e: {  	_ =	shalt  }
0x4f: {  	_ =	shalt  }
0x50: {  	_ =	shalt  }
0x51: {  	_ =	shalt  }
0x52: {  	_ =	shalt  }
0x53: {  	_ =	shalt  }
0x54: {  	_ =	shalt  }
0x55: {  	_ =	shalt  }
0x56: {  	_ =	shalt  }
0x57: {  	_ =	shalt  }
0x58: {  	_ =	shalt  }
0x59: {  	_ =	shalt  }
0x5a: {  	_ =	shalt  }
0x5b: {  	_ =	shalt  }
0x5c: {  	_ =	shalt  }
0x5d: {  	_ =	shalt  }
0x5e: {  	_ =	shalt  }
0x5f: {  	_ =	shalt  }
0x60: {  	_ =	shalt  }
0x61: {  	_ =	shalt  }
0x62: {  	_ =	shalt  }
0x63: {  	_ =	shalt  }
0x64: {  	_ =	shalt  }
0x65: {  	_ =	shalt  }
0x66: {  	_ =	shalt  }
0x67: {  	_ =	shalt  }
0x68: {  	_ =	shalt  }
0x69: {  	_ =	shalt  }
0x6a: {  	_ =	shalt  }
0x6b: {  	_ =	shalt  }
0x6c: {  	_ =	shalt  }
0x6d: {  	_ =	shalt  }
0x6e: {  	_ =	shalt  }
0x6f: {  	_ =	shalt  }
0x70: {  	_ =	shalt  }
0x71: {  	_ =	shalt  }
0x72: {  	_ =	shalt  }
0x73: {  	_ =	shalt  }
0x74: {  	_ =	shalt  }
0x75: {  	_ =	shalt  }
0x76: {  	_ =	shalt  }
0x77: {  	_ =	shalt  }
0x78: {  	_ =	shalt  }
0x79: {  	_ =	shalt  }
0x7a: {  	_ =	shalt  }
0x7b: {  	_ =	shalt  }
0x7c: {  	_ =	shalt  }
0x7d: {  	_ =	shalt  }
0x7e: {  	_ =	shalt  }
0x7f: {  	_ =	shalt  }
0x80: {  	_ =	shalt  }
0x81: {  	_ =	shalt  }
0x82: {  	_ =	shalt  }
0x83: {  	_ =	shalt  }
0x84: {  	_ =	shalt  }
0x85: {  	_ =	shalt  }
0x86: {  	_ =	shalt  }
0x87: {  	_ =	shalt  }
.Lfunc_end0:
.L_simem_size_0:
called_computation.2_lowered:
.L_overlay_start_0:
0x88: {  	s2 =	sld [smem:$0x3FD9]  }
0x89: {  	s3 =	sld [smem:$0x3FFE];
	_ =	sdelay $0x1  }
0x8a: {  	s1 =	srdreg.scid  }
0x8b: {  	s0 =	sand.u32 $0x1, s1  }
0x8c: {  	s15 =	sshll.u32 s0, $0xA;
	s2 =	sadd.s32 s3, s2  }
0x8d: {  	s2 =	sadd.s32 s2, s15  }
0x8e: {  	[smem:$0x3FBB] =	sst s2  }
0x8f: {  	_ = 	snop  }
0x90: {  	s16 =	sld [smem:$0x3FD0];
	_ =	sdelay $0x2  }
0x91: {  	s4 =	simm.s32 $0xD;
	s5 =	simm.s32 $0x10;
	s2 =	sld [smem:$0x3FBE]  }
0x92: {  	[smem:s5], [sflag:s4] =	dma.local [hbm:s16], $0x1  }
0x93: {  	_ =	swait.eq [sflag:s4], $0x1  }
0x94: {  	[sflag:s4] =	ssyncset.done $0x0  }
0x95: {  	[sflag:s4] =	ssyncadd.s32 $0xFFFFFFFF  }
0x96: {  	s17 =	sld [smem:$0x11];
	(tm) =	ssettm $0x1  }
0x97: {  	s18 =	sld [smem:$0x3FFB];
	_ =	sdelay $0x3  }
0x98: {  	_ =	strace s18  }
0x99: {  	s3 =	sld [smem:$0x3FFC];
	_ =	sdelay $0x3  }
0x9a: {  	_ =	strace s3  }
0x9b: {  	s3 =	sld [smem:$0x3FFD];
	_ =	sdelay $0x3  }
0x9c: {  	_ =	strace s3  }
0x9d: {  	_ =	strace $0x8FFFFFFF  }
0x9e: {  	s19 =	sld [smem:$0x3FDB];
	_ =	sdelay $0x1  }
0x9f: {  	s20 =	simm.s32 $_scs_section_size  }
0xa0: {  	s6 =	simm.s32 $_size__tile_overlayer_lowered;
	s7 =	simm.s32 $_tile_overlayer_lowered  }
0xa1: {  	s8 =	simm.s32 $0x1BFF;
	s21 =	sshll.u32 s7, $0x1;
	s5 =	sadd.s32 s20, s19  }
0xa2: {  	s22 =	simm.s32 $0x0;
	s6 =	sshll.u32 s6, $0x1;
	s7 =	sadd.s32 s21, s5  }
0xa3: {  	[timem:s22], [sflag:s8] =	dma.local [hbm:s7], s6  }
0xa4: {  	_ =	swait.ge [sflag:s8], s6  }
0xa5: {  	s6 =	ssub.s32 $0x0, s6;
	[sflag:s8] =	ssyncset.done $0x0  }
0xa6: {  	[sflag:s8] =	ssyncadd.s32 s6;
	_ =	sdelay $0x1  }
0xa7: {  	s23 =	simm.s32 $0x1B8B  }
0xa8: {  	_ =	swait.ge [sflag:s23], $0x1  }
0xa9: {  	[sflag:s23] =	ssyncset.done $0x0  }
0xaa: {  	[sflag:s23] =	ssyncadd.s32 $0xFFFFFFFF  }
0xab: {  	s6 =	sld [smem:$0x0]  }
0xac: {  	s7 =	sand.u32 $0xFFFFFFFE, s1  }
0xad: {  	p0 =	sne.s32 s1, s7  }
0xae: {  	s7 =	sshll.u32 @p0 s7, $0xE  }
0xaf: {  	s7 =	sadd.s32 @p0 $0x11B8D, s7;
	s8 =	sshll.u32 @p0 s6, $0x11  }
0xb0: {  	s7 =	sor.u32 @p0 s8, s7  }
0xb1: {  	[sflag:s7] =	ssyncadd.remote.s32 @p0 $0x1;
	_ =	sdelay $0x1  }
0xb2: {  	s7 =	simm.s32 @p0 $0x1B8D  }
0xb3: {  	_ =	swait.eq @p0 [sflag:s7], $0x1  }
0xb4: {  	[sflag:s7] =	ssyncadd.s32 @p0 $0xFFFFFFFF  }
0xb5: {  	s8 =	sshll.u32 @!p0 s1, $0xE  }
0xb6: {  	s8 =	sor.u32 @!p0 $0x4000, s8;
	s7 =	simm.s32 @!p0 $0x1B8D  }
0xb7: {  	s6 =	sshll.u32 @!p0 s6, $0x11;
	s8 =	sadd.s32 @!p0 $0x11B8D, s8;
	_ =	swait.eq @!p0 [sflag:s7], $0x1  }
0xb8: {  	s6 =	sor.u32 @!p0 s6, s8;
	[sflag:s7] =	ssyncadd.s32 @!p0 $0xFFFFFFFF  }
0xb9: {  	s25 =	simm.s32 $0x1B8E;
	s24 =	sld [smem:$0x3FFE];
	[sflag:s6] =	ssyncadd.remote.s32 @!p0 $0x1  }
0xba: {  	s26 =	simm.s32 $execute0_lowered;
	[smem:$0x3FD2] =	sst s25  }
0xbb: {  	s7 =	sshll.u32 s26, $0x1;
	_ =	strace $0x8000004C;
	[dreg:$0x1] =	wrdreg $0xFFFFFFFF  }
0xbc: {  	s28 =	simm.s32 $_size_execute0_lowered;
	s5 =	sadd.s32 s5, s7;
	[dreg:$0x0] =	wrdreg $0x0  }
0xbd: {  	s7 =	sshll.u32 s28, $0x1;
	[dreg:$0x2] =	wrdreg s5  }
0xbe: {  	[dreg:$0x3] =	wrdreg s7  }
0xbf: {  	[dreg:$0x4] =	wrdreg $0xC0  }
0xc0: {  	_ =	task [dreg:s22], $0x5FFFF  }
0xc1: {  	[dreg:$0x1] =	wrdreg $0xFFFFFFFF  }
0xc2: {  	[dreg:$0x0] =	wrdreg $0x60  }
0xc3: {  	[dreg:$0x2] =	wrdreg s2  }
0xc4: {  	[dreg:$0x3] =	wrdreg s17  }
0xc5: {  	[dreg:$0x4] =	wrdreg s24  }
0xc6: {  	[dreg:$0x5] =	wrdreg $0xB  }
0xc7: {  	_ =	task.clear_ibuf [dreg:s22], $0x6FFFF;
	_ =	strace $0x9000004C  }
0xc8: {  	s29 =	simm.s32 $0xB;
	_ =	strace $0x8000004E  }
0xc9: {  	_ =	swait.ge [sflag:s29], $0x1  }
0xca: {  	[sflag:s29] =	ssyncadd.s32 $0xFFFFFFFF  }
0xcb: {  	_ =	strace $0x9000004E  }
0xcc: {  	_ =	sfence  }
0xcd: {  	s30 =	sld [smem:$0x0];
	_ =	sdelay $0x2  }
0xce: {  	s31 =	sshll.u32 s1, $0xD;
	s1 =	sshrl.u32 s1, $0x2  }
0xcf: {  	s4 =	sand.u32 $0x4000, s31;
	s1 =	sadd.s32 s1, s30  }
0xd0: {  	s0 =	sor.u32 s4, s0;
	s1 =	sshll.u32 s1, $0x11  }
0xd1: {  	s0 =	sor.u32 s1, s0  }
0xd2: {  	s0 =	sadd.s32 $0x8F2B, s0  }
0xd3: {  	[sflag:s0] =	ssyncadd.remote.s32 $0x1  }
0xd4: {  	_ =	sfence.sel $0xFFFF  }
0xd5: {  	[dreg:$0x0] =	wrdreg $0xFFFFFFFF;
	(pc) =	sbr.abs _section_cstart, $3  }
0xd6: {  	[dreg:$0x1] =	wrdreg $0xFFFFFFFF  }
0xd7: {  	_ =	task.clear_ibuf [dreg:s22], $0x2FFFF;
	_ =	strace $0x9FFFFFFF  }
0xd8: {  	(tm) =	ssettm $0x7FFFFFFF  }
0xd9: {  	_ =	shalt  }
tec
execute0_lowered:
.L_overlay_start_1:
0x0: {  	(tag) =	ssettag $0x1  }
0x1: {  	s0 =	srdreg.scid  }
0x2: {  	s1 =	sshll.u32 s0, $0x4  }
0x3: {  	s0 =	stileid.u32;
	s1 =	sand.u32 $0x10, s1  }
0x4: {  	s4 =	rddreg [dreg:$0x1];
	s1 =	sor.u32 s0, s1  }
0x5: {  	s9 =	rddreg [dreg:$0x2];
	s2 =	smin.u32 s1, $0xE  }
0x6: {  	p0 =	slt.u32 s1, $0xE;
	s3 =	sadd.s32 s1, s2;
	s1 =	simm.s32 $0x40  }
0x7: {  	s6 =	simm.s32 $0x1;
	s3 =	sshll.u32 s3, $0x5;
	s1 =	simm.s32 @!p0 $0x20  }
0x8: {  	s7 =	simm.s32 $0x2;
	s10 =	simm.s32 $0x3;
	s1 =	sadd.s32 s1, s3  }
0x9: {  	s13 =	simm.s32 $0x0;
	s12 =	simm.s32 $0x0;
	s5 =	smin.u32 s1, $0x5C0  }
.Ltmp0:
0xa: {  	s2 =	rddreg [dreg:$0x0];
	s8 =	ssub.s32 s5, s3;
	(pc) =	sbr.rel .LBB2_1-.Ltmp0, $4  }
0xb: {  	s1 =	rddreg [dreg:$0x3];
	_ =	strace $0x8000004D;
	p0 =	sgt.s32 s8, $0x0  }
0xc: {  	s9 =	sadd.s32 $0x3200, s9;
	[sflag:s6] =	ssyncpa.u1 $0x0;
	s8 =	simm.s32 @!p0 $0x0  }
0xd: {  	s11 =	smov.u32 s3;
	[sflag:s7] =	ssyncpa.u1 $0x0;
	s8 =	sshrl.u32 s8, $0x5  }
0xe: {  	vm0 =	vmmov $0xff;
	vm1 =	vcmask $0x3F20;
	[sflag:s10] =	ssyncpa.u1 $0x0;
	p0 =	por $0x0, $0x0;
	s10 =	sadd.s32 $0x1, s8  }
.LBB2_8:
0xf: {  	[hbm:s17] =	stream.linear.scatter [tilespmem:s14], [sflag:$0x3], $0x800, $0x38;
	[tilespmem:$0x4040] =	vst v63  }
.LBB2_9:
0x10: {  	s13 =	sadd.s32 $0x20, s11  }
0x11: {  	s15 =	smov.u32 s3;
	p2 =	slt.s32 s13, s5  }
0x12: {  	s15 =	smov.u32 @p2 s13;
	p2 =	sne.s32 s12, s10  }
.Ltmp1:
0x13: {  	p1 =	slt.u32 s12, $0x2;
	(pc) =	sbr.rel @!p2 .LBB2_10-.Ltmp1, $4  }
0x14: {  	s14 =	simm.s32 @!p1 $0x3  }
0x15: {  	s16 =	sadd.s32 $0x1, s12;
	_ =	swait.ge @!p1 [sflag:s14], $0x2000  }
0x16: {  	p0 =	por !p0, !p0;
	s13 =	smov.u32 s11;
	[sflag:s14] =	ssyncset.done @!p1 $0x0  }
0x17: {  	s12 =	smov.u32 s16;
	s11 =	smov.u32 s15;
	[sflag:s14] =	ssyncadd.s32 @!p1 $0xFFFFE000  }
.LBB2_1:
0x18: {  	p1 =	sge.u32 s12, s8  }
0x19: {  	s14 =	sxor.u32 @!p1 $0xFFFFFFFF, s12  }
0x1a: {  	s31 =	sadd.s32 $0xFFFFFFFF, s12;
	s15 =	sshrl.u32 @!p1 s11, $0x3;
	s14 =	sshll.u32 @!p1 s14, $0x5  }
0x1b: {  	s16 =	sand.u32 @!p1 $0x7, s11;
	s15 =	sadd.s32 @!p1 s4, s15;
	s14 =	sand.u32 @!p1 $0x20, s14  }
0x1c: {  	[tilespmem:s14], [sflag:$0x2] =	stream.linear.gather @!p1 [hbm4b:s15+s16], $0x20, $0x38;
	[tilespmem:$0x4040] =	vst v63  }
0x1d: {  	p1 =	sge.u32 s31, s8  }
.Ltmp2:
0x1e: {  	_ = 	snop;
	(pc) =	sbr.rel @p1 .LBB2_9-.Ltmp2, $1  }
0x1f: {  	_ =	sdelay $0x3  }
0x20: {  	s14 =	simm.s32 $0x1  }
0x21: {  	_ =	swait.ge [sflag:s7], $0x20;
	s16 =	sand.u32 $0x1, s12;
	s17 =	simm.s32 $0x0  }
0x22: {  	p2 =	por $0x1, $0x1;
	s14 =	simm.s32 @!p0 $0x0;
	[sflag:s7] =	ssyncset.done $0x0  }
0x23: {  	s15 =	sshll.u32 s16, $0x5;
	s16 =	sshll.u32 s16, $0xD;
	s14 =	sshll.u32 s14, $0xD  }
0x24: {  	[sflag:s7] =	ssyncadd.s32 $0xFFFFFFE0;
	s16 =	sor.u32 $0x40, s16;
	s14 =	sor.u32 $0x40, s14  }
.LBB2_3:
0x25: {  	s18 =	sshll.u32 s17, $0x4  }
0x26: {  	s18 =	sand.u32 $0x3FFFFFF0, s18  }
0x27: {  	s18 =	sadd.s32 s18, s15  }
0x28: {  	v0 =	vld.msk [tilespmem:s18+$0x0 ss:$0x1], $0xffff;
	_ =	sdelay $0x4  }
0x29: {  	vm2 =	vgt.s32 v0, $0x0  }
0x2a: {  	v0 =	vnsel vm2, $0x0, v0  }
0x2b: {  	v0 =	vmin.u32 v0, $0x5BF  }
0x2c: {  	s31 =	sshll.u32 s17, $0xC;
	v1 =	vshll.u32 v0, $0x5;
	v0 =	vshll.u32 v0, $0x4  }
0x2d: {  	p1 =	por p2, p2;
	s17 =	sand.u32 $0x3FFFF000, s31;
	v1 =	vand.u32 $0xFF00, v1;
	v0 =	vand.u32 $0x70, v0  }
0x2e: {  	p2 =	por $0x1, $0x1;
	s17 =	sadd.s32 s17, s16;
	s18 =	simm.s32 $0x0;
	v0 =	vor.u32 v0, v1  }
.LBB2_4:
0x2f: {  	_ =	sdelay $0x1  }
0x30: {  	s18 =	sshra.s32 s18, $0x2;
	p3 =	por p2, p2  }
.Ltmp3:
0x31: {  	s18 =	sadd.s32 s18, s17;
	(pc) =	sbr.rel @p3 .LBB2_4-.Ltmp3, $4  }
0x32: {  	[tilespmem:s18], [sflag:$0x1] =	stream.indirect_vreg.gather [hbm:s2], $0x80, v0, vm0, $0x38;
	[tilespmem:$0x4040] =	vst v63  }
0x33: {  	s18 =	sadd.s32 $0x800, s18  }
0x34: {  	[tilespmem:s18], [sflag:$0x1] =	stream.indirect_vreg.gather [hbm:s2], $0x80, v0, vm1, $0x38;
	[tilespmem:$0x4040] =	vst v63  }
0x35: {  	p2 =	por $0x0, $0x0;
	v0 =	vadd.s32 $0x80, v0;
	s18 =	simm.s32 $0x1000  }
.Ltmp4:
0x36: {  	(pc) =	sbr.rel @p1 .LBB2_3-.Ltmp4, $2  }
0x37: {  	_ =	sdelay $0x2  }
0x38: {  	s17 =	simm.s32 $0x1;
	p2 =	por $0x0, $0x0  }
0x39: {  	s15 =	sshll.u32 s13, $0x5  }
0x3a: {  	s31 =	sshll.u32 s13, $0x4;
	s15 =	sand.u32 $0xFFFFFF00, s15  }
0x3b: {  	_ =	swait.ge [sflag:s6], $0x2000;
	s13 =	sand.u32 $0x70, s31;
	s15 =	sadd.s32 s15, s9  }
0x3c: {  	s16 =	sadd.s32 $0x800, s14;
	[sflag:s6] =	ssyncset.done $0x0;
	s13 =	sadd.s32 s13, s15  }
0x3d: {  	[sflag:s6] =	ssyncadd.s32 $0xFFFFE000;
	s15 =	simm.s32 $0x100;
	s17 =	sadd.s32 $0x0, s13  }
.LBB2_7:
0x3e: {  	[hbm:s17] =	stream.linear.scatter [tilespmem:s14], [sflag:$0x3], $0x800, $0x38;
	[tilespmem:$0x4040] =	vst v63  }
0x3f: {  	s17 =	smov.u32 s15;
	s14 =	smov.u32 s16;
	p1 =	sne.s32 s15, $0x300  }
.Ltmp5:
0x40: {  	s15 =	sadd.s32 $0x100, s15;
	(pc) =	sbr.rel @p1 .LBB2_7-.Ltmp5, $2  }
0x41: {  	_ =	sdelay $0x2  }
0x42: {  	s16 =	sadd.s32 $0x800, s16;
	s17 =	sadd.s32 s17, s13  }
.Ltmp6:
0x43: {  	_ = 	snop;
	(pc) =	sbr.rel .LBB2_8-.Ltmp6, $1  }
0x44: {  	_ =	sdelay $0x3  }
.LBB2_10:
0x45: {  	_ =	sfence.sel $0x180000  }
0x46: {  	s2 =	simm.s32 $0x2;
	[bflag:$0x0] =	sbarrier.arrive $0xFFFF  }
0x47: {  	s30 =	simm.s32 $0x3;
	[sflag:s2] =	ssyncpa.u1 $0x1  }
0x48: {  	s31 =	simm.s32 $0x1;
	[sflag:s30] =	ssyncpa.u1 $0x1  }
0x49: {  	[sflag:s31] =	ssyncpa.u1 $0x1  }
0x4a: {  	p0 =	sne.s32 s0, $0x0;
	_ =	strace $0x9000004D  }
0x4b: {  	s0 =	sadd.s32 @!p0 $0x100000, s1;
	[bflag:$0x2] =	sbarrier.arrive $0xFFFF  }
0x4c: {  	[sflag:s0] =	ssyncadd.tile.s32 @!p0 $0x1;
	_ =	shalt  }
.Lfunc_end2:
_tile_overlayer_lowered:
.L_overlay_start_2:
0x4d: {  	(tag) =	ssettag $0x2  }
0x4e: {  	s0 =	rddreg [dreg:$0x0];
	s2 =	stileid.u32  }
0x4f: {  	s1 =	rddreg [dreg:$0x1];
	p0 =	sne.s32 s2, $0x0  }
0x50: {  	s3 =	rddreg [dreg:$0x2];
	[bflag:$0x3] =	sbarrier.arrive $0xFFFF;
	s2 =	simm.s32 @!p0 $0x1C01  }
0x51: {  	[timem:s3], [sflag:s2] =	dma.local @!p0 [hbm:s0], s1  }
0x52: {  	s0 =	simm.s32 @!p0 $0x1  }
0x53: {  	_ =	swait.ge @!p0 [sflag:s0], s1  }
0x54: {  	s1 =	ssub.s32 @!p0 $0x0, s1;
	[sflag:s0] =	ssyncset.done @!p0 $0x0  }
0x55: {  	[sflag:s0] =	ssyncadd.s32 @!p0 s1  }
0x56: {  	[bflag:$0x3] =	sbarrier.arrive $0xFFFF  }
0x57: {  	_ =	shalt  }

// kernel: gather_offload_async_start.3
scs
__scs_entry_jumppad:
0x0: {  	(pc) =	sbr.rel $0x88, $3  }
0x1: {  	(tag) =	ssettag $0x0;
	lr =	simm.s32 $0x1  }
0x2: {  	[smem:$0x3F94] =	sst lr;
	_ =	strace $0xD0000000  }
0x3: {  	_ = 	snop  }
0x4: {  	_ = 	snop  }
0x5: {  	_ = 	snop  }
0x6: {  	_ = 	snop  }
0x7: {  	_ = 	snop  }
__scs_overlays_trampoline_lowered:
0x8: {  	[smem:$0x3FA3] =	sst s0  }
0x9: {  	[smem:$0x3FA4] =	sst s1  }
0xa: {  	[smem:$0x3FA5] =	sst s2  }
0xb: {  	[smem:$0x3FA6] =	sst s3  }
0xc: {  	[smem:$0x3FA7] =	sst s4  }
0xd: {  	[smem:$0x3FA8] =	sst s5  }
0xe: {  	[smem:$0x3FA9] =	sst s6  }
0xf: {  	[smem:$0x3FAA] =	sst s7  }
0x10: {  	[smem:$0x3FAB] =	sst s8  }
0x11: {  	[smem:$0x3FAC] =	sst s9;
	s0 =	simm.s32 @!p0 $0x0  }
0x12: {  	s1 =	sld [smem:$0x3F92];
	s0 =	simm.s32 @p0 $0x1  }
0x13: {  	[smem:$0x3FAD] =	sst s0;
	s0 =	simm.s32 @!p1 $0x0  }
0x14: {  	s2 =	sld [smem:$0x3F91];
	s0 =	simm.s32 @p1 $0x1  }
0x15: {  	[smem:$0x3FAE] =	sst s0;
	s0 =	simm.s32 @!p2 $0x0  }
0x16: {  	s3 =	sld [smem:$0x3FDB];
	s0 =	simm.s32 @p2 $0x1  }
0x17: {  	s4 =	simm.s32 $0x1BF5;
	[smem:$0x3FB0] =	sst s0  }
0x18: {  	s0 =	sld [smem:$0x3F93];
	_ =	swait.ge [sflag:s4], $0x0  }
0x19: {  	s7 =	sld [smem:$0x3F94]  }
0x1a: {  	s8 =	sadd.s32 $0xFFFFE003, lr  }
0x1b: {  	s9 =	sadd.s32 $0xFFFFFEF7, lr;
	s5 =	simm.s32 $0xFFFFFFFF;
	p2 =	slt.u32 s8, $0xFFFFF086  }
0x1c: {  	p1 =	slt.u32 s9, $0xF7A;
	s5 =	simm.s32 @!p2 $0x0  }
0x1d: {  	s5 =	simm.s32 @p1 $0x1;
	p0 =	seq.s32 s7, s2  }
0x1e: {  	s7 =	smul.u32 @!p0 $0xF7A, s2;
	p2 =	seq.s32 @!p0 s5, $0x0  }
0x1f: {  	s9 =	smul.u32 $0xF7A, s1;
	s8 =	simm.s32 @!p0 $0x1BF5;
	p2 =	por !p2, p0  }
0x20: {  	[sflag:s8] =	ssyncset.s32 @!p0 $0xFFFFF086;
	s6 =	sadd.s32 @!p0 s3, s7;
	s7 =	simm.s32 @!p0 $0x108  }
0x21: {  	s3 =	sadd.s32 s3, s9;
	s6 =	sadd.s32 @!p0 $0x88, s6;
	s7 =	simm.s32 @p2 $0x1082  }
0x22: {  	[simem:s7], [sflag:s8] =	dma.local @!p0 [hbm:s6], $0xF7A  }
0x23: {  	s9 =	sor.u32 $0xD0000000, s2;
	s6 =	simm.s32 $0x108;
	_ =	swait.ge @!p0 [sflag:s8], $0x0  }
0x24: {  	s3 =	sadd.s32 $0x88, s3;
	s6 =	simm.s32 @!p1 $0x1082;
	[sflag:s4] =	ssyncset.s32 $0xFFFFF086  }
0x25: {  	[simem:s6], [sflag:s4] =	dma.local [hbm:s3], $0xF7A  }
0x26: {  	[smem:$0x3F94] =	sst s1;
	(tag) =	ssettag s2;
	_ =	strace s9  }
0x27: {  	s1 =	sld [smem:$0x3FA4]  }
0x28: {  	s2 =	sld [smem:$0x3FA5]  }
0x29: {  	s4 =	sld [smem:$0x3FA7]  }
0x2a: {  	p0 =	seq.s32 s5, $0x0;
	s5 =	sld [smem:$0x3FA8]  }
0x2b: {  	s6 =	sld [smem:$0x3FA9]  }
0x2c: {  	s7 =	sld [smem:$0x3FAA]  }
0x2d: {  	s3 =	simm.s32 $0x108;
	s8 =	sld [smem:$0x3FAB]  }
0x2e: {  	s3 =	simm.s32 @!p0 $0x1082;
	s9 =	sld [smem:$0x3FAC]  }
0x2f: {  	lr =	sadd.s32 s0, s3;
	s0 =	sld [smem:$0x3FA3]  }
0x30: {  	s3 =	sld [smem:$0x3FA6]  }
0x31: {  	[smem:$0x3FAF] =	sst s10  }
0x32: {  	s10 =	sld [smem:$0x3FAD];
	_ =	sdelay $0x3  }
0x33: {  	p0 =	seq.s32 s10, $0x1;
	s10 =	sld [smem:$0x3FAF];
	_ =	sdelay $0x3  }
0x34: {  	[smem:$0x3FAF] =	sst s10  }
0x35: {  	s10 =	sld [smem:$0x3FAE];
	_ =	sdelay $0x3  }
0x36: {  	p1 =	seq.s32 s10, $0x1;
	s10 =	sld [smem:$0x3FAF];
	_ =	sdelay $0x3  }
0x37: {  	[smem:$0x3FAF] =	sst s10  }
0x38: {  	s10 =	sld [smem:$0x3FB0]  }
0x39: {  	_ = 	snop;
	(pc) =	sbr.ind lr, $3  }
0x3a: {  	_ = 	snop  }
0x3b: {  	_ = 	snop  }
0x3c: {  	p2 =	seq.s32 s10, $0x1;
	s10 =	sld [smem:$0x3FAF]  }
0x3d: {  	_ =	shalt  }
0x3e: {  	_ =	shalt  }
0x3f: {  	_ =	shalt  }
0x40: {  	_ =	shalt  }
0x41: {  	_ =	shalt  }
0x42: {  	_ =	shalt  }
0x43: {  	_ =	shalt  }
0x44: {  	_ =	shalt  }
0x45: {  	_ =	shalt  }
0x46: {  	_ =	shalt  }
0x47: {  	_ =	shalt  }
0x48: {  	_ =	shalt  }
0x49: {  	_ =	shalt  }
0x4a: {  	_ =	shalt  }
0x4b: {  	_ =	shalt  }
0x4c: {  	_ =	shalt  }
0x4d: {  	_ =	shalt  }
0x4e: {  	_ =	shalt  }
0x4f: {  	_ =	shalt  }
0x50: {  	_ =	shalt  }
0x51: {  	_ =	shalt  }
0x52: {  	_ =	shalt  }
0x53: {  	_ =	shalt  }
0x54: {  	_ =	shalt  }
0x55: {  	_ =	shalt  }
0x56: {  	_ =	shalt  }
0x57: {  	_ =	shalt  }
0x58: {  	_ =	shalt  }
0x59: {  	_ =	shalt  }
0x5a: {  	_ =	shalt  }
0x5b: {  	_ =	shalt  }
0x5c: {  	_ =	shalt  }
0x5d: {  	_ =	shalt  }
0x5e: {  	_ =	shalt  }
0x5f: {  	_ =	shalt  }
0x60: {  	_ =	shalt  }
0x61: {  	_ =	shalt  }
0x62: {  	_ =	shalt  }
0x63: {  	_ =	shalt  }
0x64: {  	_ =	shalt  }
0x65: {  	_ =	shalt  }
0x66: {  	_ =	shalt  }
0x67: {  	_ =	shalt  }
0x68: {  	_ =	shalt  }
0x69: {  	_ =	shalt  }
0x6a: {  	_ =	shalt  }
0x6b: {  	_ =	shalt  }
0x6c: {  	_ =	shalt  }
0x6d: {  	_ =	shalt  }
0x6e: {  	_ =	shalt  }
0x6f: {  	_ =	shalt  }
0x70: {  	_ =	shalt  }
0x71: {  	_ =	shalt  }
0x72: {  	_ =	shalt  }
0x73: {  	_ =	shalt  }
0x74: {  	_ =	shalt  }
0x75: {  	_ =	shalt  }
0x76: {  	_ =	shalt  }
0x77: {  	_ =	shalt  }
0x78: {  	_ =	shalt  }
0x79: {  	_ =	shalt  }
0x7a: {  	_ =	shalt  }
0x7b: {  	_ =	shalt  }
0x7c: {  	_ =	shalt  }
0x7d: {  	_ =	shalt  }
0x7e: {  	_ =	shalt  }
0x7f: {  	_ =	shalt  }
0x80: {  	_ =	shalt  }
0x81: {  	_ =	shalt  }
0x82: {  	_ =	shalt  }
0x83: {  	_ =	shalt  }
0x84: {  	_ =	shalt  }
0x85: {  	_ =	shalt  }
0x86: {  	_ =	shalt  }
0x87: {  	_ =	shalt  }
.Lfunc_end0:
.L_simem_size_0:
called_computation.3_lowered:
.L_overlay_start_0:
0x88: {  	s2 =	sld [smem:$0x3FD9]  }
0x89: {  	s3 =	sld [smem:$0x3FFE];
	_ =	sdelay $0x1  }
0x8a: {  	s1 =	srdreg.scid  }
0x8b: {  	s0 =	sand.u32 $0x1, s1  }
0x8c: {  	s15 =	sshll.u32 s0, $0xA;
	s2 =	sadd.s32 s3, s2  }
0x8d: {  	s2 =	sadd.s32 s2, s15  }
0x8e: {  	[smem:$0x3FBB] =	sst s2  }
0x8f: {  	_ = 	snop  }
0x90: {  	s16 =	sld [smem:$0x3FD0];
	_ =	sdelay $0x2  }
0x91: {  	s4 =	simm.s32 $0xD;
	s5 =	simm.s32 $0x10;
	s2 =	sld [smem:$0x3FBD]  }
0x92: {  	[smem:s5], [sflag:s4] =	dma.local [hbm:s16], $0x1  }
0x93: {  	_ =	swait.eq [sflag:s4], $0x1  }
0x94: {  	[sflag:s4] =	ssyncset.done $0x0  }
0x95: {  	[sflag:s4] =	ssyncadd.s32 $0xFFFFFFFF  }
0x96: {  	s17 =	sld [smem:$0x11];
	(tm) =	ssettm $0x1  }
0x97: {  	s18 =	sld [smem:$0x3FFB];
	_ =	sdelay $0x3  }
0x98: {  	_ =	strace s18  }
0x99: {  	s3 =	sld [smem:$0x3FFC];
	_ =	sdelay $0x3  }
0x9a: {  	_ =	strace s3  }
0x9b: {  	s3 =	sld [smem:$0x3FFD];
	_ =	sdelay $0x3  }
0x9c: {  	_ =	strace s3  }
0x9d: {  	_ =	strace $0x8FFFFFFF  }
0x9e: {  	s19 =	sld [smem:$0x3FDB];
	_ =	sdelay $0x1  }
0x9f: {  	s20 =	simm.s32 $_scs_section_size  }
0xa0: {  	s6 =	simm.s32 $_size__tile_overlayer_lowered;
	s7 =	simm.s32 $_tile_overlayer_lowered  }
0xa1: {  	s8 =	simm.s32 $0x1BFF;
	s21 =	sshll.u32 s7, $0x1;
	s5 =	sadd.s32 s20, s19  }
0xa2: {  	s22 =	simm.s32 $0x0;
	s6 =	sshll.u32 s6, $0x1;
	s7 =	sadd.s32 s21, s5  }
0xa3: {  	[timem:s22], [sflag:s8] =	dma.local [hbm:s7], s6  }
0xa4: {  	_ =	swait.ge [sflag:s8], s6  }
0xa5: {  	s6 =	ssub.s32 $0x0, s6;
	[sflag:s8] =	ssyncset.done $0x0  }
0xa6: {  	[sflag:s8] =	ssyncadd.s32 s6;
	_ =	sdelay $0x1  }
0xa7: {  	s23 =	simm.s32 $0x1B8B  }
0xa8: {  	_ =	swait.ge [sflag:s23], $0x1  }
0xa9: {  	[sflag:s23] =	ssyncset.done $0x0  }
0xaa: {  	[sflag:s23] =	ssyncadd.s32 $0xFFFFFFFF  }
0xab: {  	s6 =	sld [smem:$0x0]  }
0xac: {  	s7 =	sand.u32 $0xFFFFFFFE, s1  }
0xad: {  	p0 =	sne.s32 s1, s7  }
0xae: {  	s7 =	sshll.u32 @p0 s7, $0xE  }
0xaf: {  	s7 =	sadd.s32 @p0 $0x11B8D, s7;
	s8 =	sshll.u32 @p0 s6, $0x11  }
0xb0: {  	s7 =	sor.u32 @p0 s8, s7  }
0xb1: {  	[sflag:s7] =	ssyncadd.remote.s32 @p0 $0x1;
	_ =	sdelay $0x1  }
0xb2: {  	s7 =	simm.s32 @p0 $0x1B8D  }
0xb3: {  	_ =	swait.eq @p0 [sflag:s7], $0x1  }
0xb4: {  	[sflag:s7] =	ssyncadd.s32 @p0 $0xFFFFFFFF  }
0xb5: {  	s8 =	sshll.u32 @!p0 s1, $0xE  }
0xb6: {  	s8 =	sor.u32 @!p0 $0x4000, s8;
	s7 =	simm.s32 @!p0 $0x1B8D  }
0xb7: {  	s6 =	sshll.u32 @!p0 s6, $0x11;
	s8 =	sadd.s32 @!p0 $0x11B8D, s8;
	_ =	swait.eq @!p0 [sflag:s7], $0x1  }
0xb8: {  	s6 =	sor.u32 @!p0 s6, s8;
	[sflag:s7] =	ssyncadd.s32 @!p0 $0xFFFFFFFF  }
0xb9: {  	s25 =	simm.s32 $0x1B8E;
	s24 =	sld [smem:$0x3FFE];
	[sflag:s6] =	ssyncadd.remote.s32 @!p0 $0x1  }
0xba: {  	s26 =	simm.s32 $execute0_lowered;
	[smem:$0x3FD2] =	sst s25  }
0xbb: {  	s7 =	sshll.u32 s26, $0x1;
	_ =	strace $0x80000049;
	[dreg:$0x1] =	wrdreg $0xFFFFFFFF  }
0xbc: {  	s28 =	simm.s32 $_size_execute0_lowered;
	s5 =	sadd.s32 s5, s7;
	[dreg:$0x0] =	wrdreg $0x0  }
0xbd: {  	s7 =	sshll.u32 s28, $0x1;
	[dreg:$0x2] =	wrdreg s5  }
0xbe: {  	[dreg:$0x3] =	wrdreg s7  }
0xbf: {  	[dreg:$0x4] =	wrdreg $0xC0  }
0xc0: {  	_ =	task [dreg:s22], $0x5FFFF  }
0xc1: {  	[dreg:$0x1] =	wrdreg $0xFFFFFFFF  }
0xc2: {  	[dreg:$0x0] =	wrdreg $0x60  }
0xc3: {  	[dreg:$0x2] =	wrdreg s2  }
0xc4: {  	[dreg:$0x3] =	wrdreg s17  }
0xc5: {  	[dreg:$0x4] =	wrdreg s24  }
0xc6: {  	[dreg:$0x5] =	wrdreg $0xC  }
0xc7: {  	_ =	task.clear_ibuf [dreg:s22], $0x6FFFF;
	_ =	strace $0x90000049  }
0xc8: {  	s29 =	simm.s32 $0xC;
	_ =	strace $0x8000004B  }
0xc9: {  	_ =	swait.ge [sflag:s29], $0x1  }
0xca: {  	[sflag:s29] =	ssyncadd.s32 $0xFFFFFFFF  }
0xcb: {  	_ =	strace $0x9000004B  }
0xcc: {  	_ =	sfence  }
0xcd: {  	s30 =	sld [smem:$0x0];
	_ =	sdelay $0x2  }
0xce: {  	s31 =	sshll.u32 s1, $0xD;
	s1 =	sshrl.u32 s1, $0x2  }
0xcf: {  	s4 =	sand.u32 $0x4000, s31;
	s1 =	sadd.s32 s1, s30  }
0xd0: {  	s0 =	sor.u32 s4, s0;
	s1 =	sshll.u32 s1, $0x11  }
0xd1: {  	s0 =	sor.u32 s1, s0  }
0xd2: {  	s0 =	sadd.s32 $0x8F2B, s0  }
0xd3: {  	[sflag:s0] =	ssyncadd.remote.s32 $0x1  }
0xd4: {  	_ =	sfence.sel $0xFFFF  }
0xd5: {  	[dreg:$0x0] =	wrdreg $0xFFFFFFFF;
	(pc) =	sbr.abs _section_cstart, $3  }
0xd6: {  	[dreg:$0x1] =	wrdreg $0xFFFFFFFF  }
0xd7: {  	_ =	task.clear_ibuf [dreg:s22], $0x2FFFF;
	_ =	strace $0x9FFFFFFF  }
0xd8: {  	(tm) =	ssettm $0x7FFFFFFF  }
0xd9: {  	_ =	shalt  }
tec
execute0_lowered:
.L_overlay_start_1:
0x0: {  	(tag) =	ssettag $0x1  }
0x1: {  	s1 =	srdreg.scid;
	s2 =	rddreg [dreg:$0x0]  }
0x2: {  	s0 =	stileid.u32;
	s3 =	rddreg [dreg:$0x1];
	s1 =	sshll.u32 s1, $0x5  }
0x3: {  	s6 =	rddreg [dreg:$0x2];
	s4 =	sshll.u32 s0, $0x6;
	s1 =	sand.u32 $0x20, s1  }
0x4: {  	s7 =	simm.s32 $0x1;
	s30 =	simm.s32 $0x2;
	s4 =	sor.u32 s4, s1  }
0x5: {  	s31 =	simm.s32 $0x3;
	s11 =	simm.s32 $0x0;
	s5 =	ssub.s32 $0x5C0, s4  }
0x6: {  	s9 =	simm.s32 $0x0;
	s6 =	sadd.s32 $0x3000, s6;
	s8 =	sand.u32 $0x3E0, s5  }
0x7: {  	s1 =	rddreg [dreg:$0x3];
	_ =	strace $0x8000004A;
	p0 =	sne.s32 s8, $0x0  }
0x8: {  	[sflag:s7] =	ssyncpa.u1 $0x0;
	s5 =	sshrl.u32 s5, $0xA;
	s7 =	simm.s32 @!p0 $0x0  }
0x9: {  	s10 =	smov.u32 s4;
	[sflag:s30] =	ssyncpa.u1 $0x0;
	s5 =	sadd.s32 s7, s5  }
0xa: {  	[sflag:s31] =	ssyncpa.u1 $0x0;
	s8 =	simm.s32 $0x0;
	s7 =	sadd.s32 $0x1, s5  }
.LBB2_1:
0xb: {  	p0 =	sge.u32 s9, s5  }
0xc: {  	s31 =	sadd.s32 $0xFFFFFFFF, s9;
	s12 =	sxor.u32 @!p0 $0xFFFFFFFF, s8;
	s13 =	sshrl.u32 @!p0 s10, $0x3  }
0xd: {  	s14 =	sand.u32 @!p0 $0x7, s10;
	s12 =	sand.u32 @!p0 $0x20, s12;
	s13 =	sadd.s32 @!p0 s3, s13  }
0xe: {  	[tilespmem:s12], [sflag:$0x2] =	stream.linear.gather @!p0 [hbm4b:s13+s14], $0x20, $0x38;
	[tilespmem:$0x80] =	vst v63  }
0xf: {  	p0 =	sge.u32 s31, s5  }
0x10: {  	s12 =	simm.s32 @!p0 $0x2  }
0x11: {  	_ =	swait.ge @!p0 [sflag:s12], $0x20  }
0x12: {  	[sflag:s12] =	ssyncset.done @!p0 $0x0  }
0x13: {  	[sflag:s12] =	ssyncadd.s32 @!p0 $0xFFFFFFE0;
	s12 =	sand.u32 @!p0 $0x20, s8  }
0x14: {  	(ifvalue) =	ssetifvalue @!p0 $0x7FFFFFFF;
	v0 =	vld.msk @!p0 [tilespmem:s12+$0x0 ss:$0x1], $0xffff;
	_ =	sdelay $0x4  }
0x15: {  	vm0 =	vgt.s32 @!p0 v0, $0x0  }
0x16: {  	v0 =	vnsel @!p0 vm0, $0x0, v0  }
0x17: {  	v0 =	vmin.u32 @!p0 v0, $0x5BF;
	_ =	sdelay $0x2  }
0x18: {  	s14 =	simm.s32 @!p0 $0x0  }
0x19: {  	s13 =	sor.u32 @!p0 $0x40, s12;
	(ifvalue) =	ssetifvalue @!p0 $0x7FFFFFFF;
	s15 =	sor.u32 @!p0 $0x10, s12;
	vm0 =	vmmov @!p0 $0xffff  }
0x1a: {  	[tilespmem:s13], [sflag:$0x1] =	stream.indirect_vreg.gather @!p0 [hbm4b:s2+s14], $0x1, v0, vm0, $0x4038;
	[tilespmem:$0x80] =	vst v63  }
0x1b: {  	v0 =	vld.msk @!p0 [tilespmem:s15+$0x0 ss:$0x1], $0xffff;
	_ =	sdelay $0x4  }
0x1c: {  	vm1 =	vgt.s32 @!p0 v0, $0x0  }
0x1d: {  	v0 =	vnsel @!p0 vm1, $0x0, v0  }
0x1e: {  	v0 =	vmin.u32 @!p0 v0, $0x5BF;
	_ =	sdelay $0x3  }
0x1f: {  	s12 =	sor.u32 @!p0 $0x50, s12;
	(ifvalue) =	ssetifvalue @!p0 $0x7FFFFFFF  }
0x20: {  	[tilespmem:s12], [sflag:$0x1] =	stream.indirect_vreg.gather @!p0 [hbm4b:s2+s14], $0x1, v0, vm0, $0x4038;
	[tilespmem:$0x80] =	vst v63  }
0x21: {  	s12 =	simm.s32 @!p0 $0x1  }
0x22: {  	_ =	swait.ge @!p0 [sflag:s12], $0x20  }
0x23: {  	s14 =	sshrl.u32 @!p0 s11, $0x3;
	[sflag:s12] =	ssyncset.done @!p0 $0x0  }
0x24: {  	s11 =	sand.u32 @!p0 $0x7, s11;
	[sflag:s12] =	ssyncadd.s32 @!p0 $0xFFFFFFE0;
	s12 =	sadd.s32 @!p0 s6, s14  }
0x25: {  	[hbm4b:s12+s11] =	stream.linear.scatter @!p0 [tilespmem:s13], [sflag:$0x3], $0x20, $0x38;
	[tilespmem:$0x80] =	vst v63  }
0x26: {  	s13 =	sadd.s32 $0x400, s10  }
0x27: {  	p1 =	sgt.s32 s13, $0x5BF  }
0x28: {  	s13 =	smov.u32 @p1 s4;
	p1 =	sne.s32 s9, s7  }
.Ltmp0:
0x29: {  	p0 =	slt.u32 s9, $0x2;
	(pc) =	sbr.rel @p1 .LBB2_1-.Ltmp0, $4  }
0x2a: {  	s12 =	simm.s32 @!p0 $0x3  }
0x2b: {  	_ =	swait.ge @!p0 [sflag:s12], $0x20  }
0x2c: {  	s8 =	sadd.s32 $0x20, s8;
	s11 =	smov.u32 s10;
	[sflag:s12] =	ssyncset.done @!p0 $0x0  }
0x2d: {  	s9 =	sadd.s32 $0x1, s9;
	s10 =	smov.u32 s13;
	[sflag:s12] =	ssyncadd.s32 @!p0 $0xFFFFFFE0  }
0x2e: {  	_ =	sfence.sel $0x180000  }
0x2f: {  	s2 =	simm.s32 $0x2;
	[bflag:$0x0] =	sbarrier.arrive $0xFFFF  }
0x30: {  	s30 =	simm.s32 $0x3;
	[sflag:s2] =	ssyncpa.u1 $0x1  }
0x31: {  	s31 =	simm.s32 $0x1;
	[sflag:s30] =	ssyncpa.u1 $0x1  }
0x32: {  	[sflag:s31] =	ssyncpa.u1 $0x1  }
0x33: {  	p0 =	sne.s32 s0, $0x0;
	_ =	strace $0x9000004A  }
0x34: {  	s0 =	sadd.s32 @!p0 $0x100000, s1;
	[bflag:$0x2] =	sbarrier.arrive $0xFFFF  }
0x35: {  	[sflag:s0] =	ssyncadd.tile.s32 @!p0 $0x1;
	_ =	shalt  }
.Lfunc_end2:
_tile_overlayer_lowered:
.L_overlay_start_2:
0x36: {  	(tag) =	ssettag $0x2  }
0x37: {  	s0 =	rddreg [dreg:$0x0];
	s2 =	stileid.u32  }
0x38: {  	s1 =	rddreg [dreg:$0x1];
	p0 =	sne.s32 s2, $0x0  }
0x39: {  	s3 =	rddreg [dreg:$0x2];
	[bflag:$0x3] =	sbarrier.arrive $0xFFFF;
	s2 =	simm.s32 @!p0 $0x1C01  }
0x3a: {  	[timem:s3], [sflag:s2] =	dma.local @!p0 [hbm:s0], s1  }
0x3b: {  	s0 =	simm.s32 @!p0 $0x1  }
0x3c: {  	_ =	swait.ge @!p0 [sflag:s0], s1  }
0x3d: {  	s1 =	ssub.s32 @!p0 $0x0, s1;
	[sflag:s0] =	ssyncset.done @!p0 $0x0  }
0x3e: {  	[sflag:s0] =	ssyncadd.s32 @!p0 s1  }
0x3f: {  	[bflag:$0x3] =	sbarrier.arrive $0xFFFF  }
0x40: {  	_ =	shalt  }

// kernel: gather_offload_async_start
scs
__scs_entry_jumppad:
0x0: {  	(pc) =	sbr.rel $0x88, $3  }
0x1: {  	(tag) =	ssettag $0x0;
	lr =	simm.s32 $0x1  }
0x2: {  	[smem:$0x3F94] =	sst lr;
	_ =	strace $0xD0000000  }
0x3: {  	_ = 	snop  }
0x4: {  	_ = 	snop  }
0x5: {  	_ = 	snop  }
0x6: {  	_ = 	snop  }
0x7: {  	_ = 	snop  }
__scs_overlays_trampoline_lowered:
0x8: {  	[smem:$0x3FA3] =	sst s0  }
0x9: {  	[smem:$0x3FA4] =	sst s1  }
0xa: {  	[smem:$0x3FA5] =	sst s2  }
0xb: {  	[smem:$0x3FA6] =	sst s3  }
0xc: {  	[smem:$0x3FA7] =	sst s4  }
0xd: {  	[smem:$0x3FA8] =	sst s5  }
0xe: {  	[smem:$0x3FA9] =	sst s6  }
0xf: {  	[smem:$0x3FAA] =	sst s7  }
0x10: {  	[smem:$0x3FAB] =	sst s8  }
0x11: {  	[smem:$0x3FAC] =	sst s9;
	s0 =	simm.s32 @!p0 $0x0  }
0x12: {  	s1 =	sld [smem:$0x3F92];
	s0 =	simm.s32 @p0 $0x1  }
0x13: {  	[smem:$0x3FAD] =	sst s0;
	s0 =	simm.s32 @!p1 $0x0  }
0x14: {  	s2 =	sld [smem:$0x3F91];
	s0 =	simm.s32 @p1 $0x1  }
0x15: {  	[smem:$0x3FAE] =	sst s0;
	s0 =	simm.s32 @!p2 $0x0  }
0x16: {  	s3 =	sld [smem:$0x3FDB];
	s0 =	simm.s32 @p2 $0x1  }
0x17: {  	s4 =	simm.s32 $0x1BF5;
	[smem:$0x3FB0] =	sst s0  }
0x18: {  	s0 =	sld [smem:$0x3F93];
	_ =	swait.ge [sflag:s4], $0x0  }
0x19: {  	s7 =	sld [smem:$0x3F94]  }
0x1a: {  	s8 =	sadd.s32 $0xFFFFE003, lr  }
0x1b: {  	s9 =	sadd.s32 $0xFFFFFEF7, lr;
	s5 =	simm.s32 $0xFFFFFFFF;
	p2 =	slt.u32 s8, $0xFFFFF086  }
0x1c: {  	p1 =	slt.u32 s9, $0xF7A;
	s5 =	simm.s32 @!p2 $0x0  }
0x1d: {  	s5 =	simm.s32 @p1 $0x1;
	p0 =	seq.s32 s7, s2  }
0x1e: {  	s7 =	smul.u32 @!p0 $0xF7A, s2;
	p2 =	seq.s32 @!p0 s5, $0x0  }
0x1f: {  	s9 =	smul.u32 $0xF7A, s1;
	s8 =	simm.s32 @!p0 $0x1BF5;
	p2 =	por !p2, p0  }
0x20: {  	[sflag:s8] =	ssyncset.s32 @!p0 $0xFFFFF086;
	s6 =	sadd.s32 @!p0 s3, s7;
	s7 =	simm.s32 @!p0 $0x108  }
0x21: {  	s3 =	sadd.s32 s3, s9;
	s6 =	sadd.s32 @!p0 $0x88, s6;
	s7 =	simm.s32 @p2 $0x1082  }
0x22: {  	[simem:s7], [sflag:s8] =	dma.local @!p0 [hbm:s6], $0xF7A  }
0x23: {  	s9 =	sor.u32 $0xD0000000, s2;
	s6 =	simm.s32 $0x108;
	_ =	swait.ge @!p0 [sflag:s8], $0x0  }
0x24: {  	s3 =	sadd.s32 $0x88, s3;
	s6 =	simm.s32 @!p1 $0x1082;
	[sflag:s4] =	ssyncset.s32 $0xFFFFF086  }
0x25: {  	[simem:s6], [sflag:s4] =	dma.local [hbm:s3], $0xF7A  }
0x26: {  	[smem:$0x3F94] =	sst s1;
	(tag) =	ssettag s2;
	_ =	strace s9  }
0x27: {  	s1 =	sld [smem:$0x3FA4]  }
0x28: {  	s2 =	sld [smem:$0x3FA5]  }
0x29: {  	s4 =	sld [smem:$0x3FA7]  }
0x2a: {  	p0 =	seq.s32 s5, $0x0;
	s5 =	sld [smem:$0x3FA8]  }
0x2b: {  	s6 =	sld [smem:$0x3FA9]  }
0x2c: {  	s7 =	sld [smem:$0x3FAA]  }
0x2d: {  	s3 =	simm.s32 $0x108;
	s8 =	sld [smem:$0x3FAB]  }
0x2e: {  	s3 =	simm.s32 @!p0 $0x1082;
	s9 =	sld [smem:$0x3FAC]  }
0x2f: {  	lr =	sadd.s32 s0, s3;
	s0 =	sld [smem:$0x3FA3]  }
0x30: {  	s3 =	sld [smem:$0x3FA6]  }
0x31: {  	[smem:$0x3FAF] =	sst s10  }
0x32: {  	s10 =	sld [smem:$0x3FAD];
	_ =	sdelay $0x3  }
0x33: {  	p0 =	seq.s32 s10, $0x1;
	s10 =	sld [smem:$0x3FAF];
	_ =	sdelay $0x3  }
0x34: {  	[smem:$0x3FAF] =	sst s10  }
0x35: {  	s10 =	sld [smem:$0x3FAE];
	_ =	sdelay $0x3  }
0x36: {  	p1 =	seq.s32 s10, $0x1;
	s10 =	sld [smem:$0x3FAF];
	_ =	sdelay $0x3  }
0x37: {  	[smem:$0x3FAF] =	sst s10  }
0x38: {  	s10 =	sld [smem:$0x3FB0]  }
0x39: {  	_ = 	snop;
	(pc) =	sbr.ind lr, $3  }
0x3a: {  	_ = 	snop  }
0x3b: {  	_ = 	snop  }
0x3c: {  	p2 =	seq.s32 s10, $0x1;
	s10 =	sld [smem:$0x3FAF]  }
0x3d: {  	_ =	shalt  }
0x3e: {  	_ =	shalt  }
0x3f: {  	_ =	shalt  }
0x40: {  	_ =	shalt  }
0x41: {  	_ =	shalt  }
0x42: {  	_ =	shalt  }
0x43: {  	_ =	shalt  }
0x44: {  	_ =	shalt  }
0x45: {  	_ =	shalt  }
0x46: {  	_ =	shalt  }
0x47: {  	_ =	shalt  }
0x48: {  	_ =	shalt  }
0x49: {  	_ =	shalt  }
0x4a: {  	_ =	shalt  }
0x4b: {  	_ =	shalt  }
0x4c: {  	_ =	shalt  }
0x4d: {  	_ =	shalt  }
0x4e: {  	_ =	shalt  }
0x4f: {  	_ =	shalt  }
0x50: {  	_ =	shalt  }
0x51: {  	_ =	shalt  }
0x52: {  	_ =	shalt  }
0x53: {  	_ =	shalt  }
0x54: {  	_ =	shalt  }
0x55: {  	_ =	shalt  }
0x56: {  	_ =	shalt  }
0x57: {  	_ =	shalt  }
0x58: {  	_ =	shalt  }
0x59: {  	_ =	shalt  }
0x5a: {  	_ =	shalt  }
0x5b: {  	_ =	shalt  }
0x5c: {  	_ =	shalt  }
0x5d: {  	_ =	shalt  }
0x5e: {  	_ =	shalt  }
0x5f: {  	_ =	shalt  }
0x60: {  	_ =	shalt  }
0x61: {  	_ =	shalt  }
0x62: {  	_ =	shalt  }
0x63: {  	_ =	shalt  }
0x64: {  	_ =	shalt  }
0x65: {  	_ =	shalt  }
0x66: {  	_ =	shalt  }
0x67: {  	_ =	shalt  }
0x68: {  	_ =	shalt  }
0x69: {  	_ =	shalt  }
0x6a: {  	_ =	shalt  }
0x6b: {  	_ =	shalt  }
0x6c: {  	_ =	shalt  }
0x6d: {  	_ =	shalt  }
0x6e: {  	_ =	shalt  }
0x6f: {  	_ =	shalt  }
0x70: {  	_ =	shalt  }
0x71: {  	_ =	shalt  }
0x72: {  	_ =	shalt  }
0x73: {  	_ =	shalt  }
0x74: {  	_ =	shalt  }
0x75: {  	_ =	shalt  }
0x76: {  	_ =	shalt  }
0x77: {  	_ =	shalt  }
0x78: {  	_ =	shalt  }
0x79: {  	_ =	shalt  }
0x7a: {  	_ =	shalt  }
0x7b: {  	_ =	shalt  }
0x7c: {  	_ =	shalt  }
0x7d: {  	_ =	shalt  }
0x7e: {  	_ =	shalt  }
0x7f: {  	_ =	shalt  }
0x80: {  	_ =	shalt  }
0x81: {  	_ =	shalt  }
0x82: {  	_ =	shalt  }
0x83: {  	_ =	shalt  }
0x84: {  	_ =	shalt  }
0x85: {  	_ =	shalt  }
0x86: {  	_ =	shalt  }
0x87: {  	_ =	shalt  }
.Lfunc_end0:
.L_simem_size_0:
called_computation_lowered:
.L_overlay_start_0:
0x88: {  	s2 =	sld [smem:$0x3FD9]  }
0x89: {  	s3 =	sld [smem:$0x3FFE];
	_ =	sdelay $0x1  }
0x8a: {  	s1 =	srdreg.scid  }
0x8b: {  	s0 =	sand.u32 $0x1, s1  }
0x8c: {  	s16 =	sshll.u32 s0, $0xA;
	s2 =	sadd.s32 s3, s2  }
0x8d: {  	s2 =	sadd.s32 s2, s16  }
0x8e: {  	[smem:$0x3FBB] =	sst s2  }
0x8f: {  	_ = 	snop  }
0x90: {  	s17 =	sld [smem:$0x3FD0];
	_ =	sdelay $0x2  }
0x91: {  	s5 =	simm.s32 $0xD;
	s4 =	simm.s32 $0x10;
	s2 =	sld [smem:$0x3FC4]  }
0x92: {  	[smem:s4], [sflag:s5] =	dma.local [hbm:s17], $0x1  }
0x93: {  	_ =	swait.eq [sflag:s5], $0x1  }
0x94: {  	[sflag:s5] =	ssyncset.done $0x0  }
0x95: {  	s18 =	sld [smem:$0x10];
	[sflag:s5] =	ssyncadd.s32 $0xFFFFFFFF  }
0x96: {  	s19 =	sld [smem:$0x11];
	(tm) =	ssettm $0x1  }
0x97: {  	s20 =	sld [smem:$0x3FFB];
	_ =	sdelay $0x3  }
0x98: {  	_ =	strace s20  }
0x99: {  	s3 =	sld [smem:$0x3FFC];
	_ =	sdelay $0x3  }
0x9a: {  	_ =	strace s3  }
0x9b: {  	s3 =	sld [smem:$0x3FFD];
	_ =	sdelay $0x3  }
0x9c: {  	_ =	strace s3  }
0x9d: {  	_ =	strace $0x8FFFFFFF  }
0x9e: {  	s21 =	sld [smem:$0x3FDB];
	_ =	sdelay $0x1  }
0x9f: {  	s6 =	simm.s32 $_scs_section_size  }
0xa0: {  	s7 =	simm.s32 $_size__tile_overlayer_lowered;
	s8 =	simm.s32 $_tile_overlayer_lowered  }
0xa1: {  	s9 =	simm.s32 $0x1BFF;
	s22 =	sshll.u32 s8, $0x1;
	s6 =	sadd.s32 s6, s21  }
0xa2: {  	s23 =	simm.s32 $0x0;
	s7 =	sshll.u32 s7, $0x1;
	s8 =	sadd.s32 s22, s6  }
0xa3: {  	[timem:s23], [sflag:s9] =	dma.local [hbm:s8], s7  }
0xa4: {  	_ =	swait.ge [sflag:s9], s7  }
0xa5: {  	s7 =	ssub.s32 $0x0, s7;
	[sflag:s9] =	ssyncset.done $0x0  }
0xa6: {  	[sflag:s9] =	ssyncadd.s32 s7;
	_ =	sdelay $0x1  }
0xa7: {  	s24 =	simm.s32 $0x1B8B  }
0xa8: {  	_ =	swait.ge [sflag:s24], $0x1  }
0xa9: {  	[sflag:s24] =	ssyncset.done $0x0  }
0xaa: {  	[sflag:s24] =	ssyncadd.s32 $0xFFFFFFFF  }
0xab: {  	s7 =	sld [smem:$0x0]  }
0xac: {  	s8 =	sand.u32 $0xFFFFFFFE, s1  }
0xad: {  	p0 =	sne.s32 s1, s8  }
0xae: {  	s8 =	sshll.u32 @p0 s8, $0xE  }
0xaf: {  	s8 =	sadd.s32 @p0 $0x11B8D, s8;
	s9 =	sshll.u32 @p0 s7, $0x11  }
0xb0: {  	s8 =	sor.u32 @p0 s9, s8  }
0xb1: {  	[sflag:s8] =	ssyncadd.remote.s32 @p0 $0x1;
	_ =	sdelay $0x1  }
0xb2: {  	s8 =	simm.s32 @p0 $0x1B8D  }
0xb3: {  	_ =	swait.eq @p0 [sflag:s8], $0x1  }
0xb4: {  	[sflag:s8] =	ssyncadd.s32 @p0 $0xFFFFFFFF  }
0xb5: {  	s9 =	sshll.u32 @!p0 s1, $0xE  }
0xb6: {  	s9 =	sor.u32 @!p0 $0x4000, s9;
	s8 =	simm.s32 @!p0 $0x1B8D  }
0xb7: {  	s7 =	sshll.u32 @!p0 s7, $0x11;
	s9 =	sadd.s32 @!p0 $0x11B8D, s9;
	_ =	swait.eq @!p0 [sflag:s8], $0x1  }
0xb8: {  	s7 =	sor.u32 @!p0 s7, s9;
	[sflag:s8] =	ssyncadd.s32 @!p0 $0xFFFFFFFF  }
0xb9: {  	s25 =	simm.s32 $0x1B8E;
	[sflag:s7] =	ssyncadd.remote.s32 @!p0 $0x1  }
0xba: {  	s26 =	simm.s32 $execute0_lowered;
	[smem:$0x3FD2] =	sst s25  }
0xbb: {  	s7 =	sshll.u32 s26, $0x1;
	_ =	strace $0x8000004F;
	[dreg:$0x1] =	wrdreg $0xFFFFFFFF  }
0xbc: {  	s28 =	simm.s32 $_size_execute0_lowered;
	s6 =	sadd.s32 s6, s7;
	[dreg:$0x0] =	wrdreg $0x0  }
0xbd: {  	s7 =	sshll.u32 s28, $0x1;
	[dreg:$0x2] =	wrdreg s6  }
0xbe: {  	[dreg:$0x3] =	wrdreg s7  }
0xbf: {  	[dreg:$0x4] =	wrdreg $0xC0  }
0xc0: {  	_ =	task [dreg:s23], $0x5FFFF  }
0xc1: {  	[dreg:$0x1] =	wrdreg $0xFFFFFFFF  }
0xc2: {  	[dreg:$0x0] =	wrdreg $0x60  }
0xc3: {  	[dreg:$0x2] =	wrdreg s2  }
0xc4: {  	[dreg:$0x3] =	wrdreg s19  }
0xc5: {  	[dreg:$0x4] =	wrdreg s18  }
0xc6: {  	[dreg:$0x5] =	wrdreg $0x9  }
0xc7: {  	_ =	task.clear_ibuf [dreg:s23], $0x6FFFF;
	_ =	strace $0x9000004F  }
0xc8: {  	s29 =	simm.s32 $0x9;
	_ =	strace $0x80000051  }
0xc9: {  	_ =	swait.ge [sflag:s29], $0x1  }
0xca: {  	[sflag:s29] =	ssyncadd.s32 $0xFFFFFFFF  }
0xcb: {  	_ =	strace $0x90000051  }
0xcc: {  	_ =	sfence  }
0xcd: {  	s30 =	sld [smem:$0x0];
	_ =	sdelay $0x2  }
0xce: {  	s31 =	sshll.u32 s1, $0xD;
	s1 =	sshrl.u32 s1, $0x2  }
0xcf: {  	s4 =	sand.u32 $0x4000, s31;
	s1 =	sadd.s32 s1, s30  }
0xd0: {  	s0 =	sor.u32 s4, s0;
	s1 =	sshll.u32 s1, $0x11  }
0xd1: {  	s0 =	sor.u32 s1, s0  }
0xd2: {  	s0 =	sadd.s32 $0x8F2B, s0  }
0xd3: {  	[sflag:s0] =	ssyncadd.remote.s32 $0x1  }
0xd4: {  	_ =	sfence.sel $0xFFFF  }
0xd5: {  	[dreg:$0x0] =	wrdreg $0xFFFFFFFF;
	(pc) =	sbr.abs _section_cstart, $3  }
0xd6: {  	[dreg:$0x1] =	wrdreg $0xFFFFFFFF  }
0xd7: {  	_ =	task.clear_ibuf [dreg:s23], $0x2FFFF;
	_ =	strace $0x9FFFFFFF  }
0xd8: {  	(tm) =	ssettm $0x7FFFFFFF  }
0xd9: {  	_ =	shalt  }
tec
execute0_lowered:
.L_overlay_start_1:
0x0: {  	(tag) =	ssettag $0x1  }
0x1: {  	s0 =	srdreg.scid  }
0x2: {  	s1 =	sshll.u32 s0, $0x4  }
0x3: {  	s0 =	stileid.u32;
	s1 =	sand.u32 $0x10, s1  }
0x4: {  	s1 =	sor.u32 s0, s1  }
0x5: {  	s4 =	rddreg [dreg:$0x1];
	s2 =	smin.u32 s1, $0xE  }
0x6: {  	p0 =	slt.u32 s1, $0xE;
	s3 =	sadd.s32 s1, s2;
	s1 =	simm.s32 $0x40  }
0x7: {  	s5 =	rddreg [dreg:$0x2];
	s3 =	sshll.u32 s3, $0x5;
	s1 =	simm.s32 @!p0 $0x20  }
0x8: {  	s7 =	simm.s32 $0x1;
	s8 =	simm.s32 $0x2;
	s1 =	sadd.s32 s1, s3  }
0x9: {  	s10 =	simm.s32 $0x3;
	s13 =	simm.s32 $0x0;
	s6 =	smin.u32 s1, $0x5C0  }
.Ltmp0:
0xa: {  	s2 =	rddreg [dreg:$0x0];
	s9 =	ssub.s32 s6, s3;
	(pc) =	sbr.rel .LBB2_1-.Ltmp0, $4  }
0xb: {  	s1 =	rddreg [dreg:$0x3];
	_ =	strace $0x80000050;
	p0 =	sgt.s32 s9, $0x0  }
0xc: {  	s12 =	simm.s32 $0x0;
	[sflag:s7] =	ssyncpa.u1 $0x0;
	s9 =	simm.s32 @!p0 $0x0  }
0xd: {  	s11 =	smov.u32 s3;
	[sflag:s8] =	ssyncpa.u1 $0x0;
	s9 =	sshrl.u32 s9, $0x5  }
0xe: {  	vm0 =	vmmov $0xff;
	vm1 =	vcmask $0x3F20;
	[sflag:s10] =	ssyncpa.u1 $0x0;
	p0 =	por $0x0, $0x0;
	s10 =	sadd.s32 $0x1, s9  }
.LBB2_8:
0xf: {  	[hbm:s17] =	stream.linear.scatter [tilespmem:s14], [sflag:$0x3], $0x800, $0x38;
	[tilespmem:$0x4040] =	vst v63  }
.LBB2_9:
0x10: {  	s13 =	sadd.s32 $0x20, s11  }
0x11: {  	s15 =	smov.u32 s3;
	p2 =	slt.s32 s13, s6  }
0x12: {  	s15 =	smov.u32 @p2 s13;
	p2 =	sne.s32 s12, s10  }
.Ltmp1:
0x13: {  	p1 =	slt.u32 s12, $0x2;
	(pc) =	sbr.rel @!p2 .LBB2_10-.Ltmp1, $4  }
0x14: {  	s14 =	simm.s32 @!p1 $0x3  }
0x15: {  	s16 =	sadd.s32 $0x1, s12;
	_ =	swait.ge @!p1 [sflag:s14], $0x2000  }
0x16: {  	p0 =	por !p0, !p0;
	s13 =	smov.u32 s11;
	[sflag:s14] =	ssyncset.done @!p1 $0x0  }
0x17: {  	s12 =	smov.u32 s16;
	s11 =	smov.u32 s15;
	[sflag:s14] =	ssyncadd.s32 @!p1 $0xFFFFE000  }
.LBB2_1:
0x18: {  	p1 =	sge.u32 s12, s9  }
0x19: {  	s14 =	sxor.u32 @!p1 $0xFFFFFFFF, s12  }
0x1a: {  	s31 =	sadd.s32 $0xFFFFFFFF, s12;
	s15 =	sshrl.u32 @!p1 s11, $0x3;
	s14 =	sshll.u32 @!p1 s14, $0x5  }
0x1b: {  	s16 =	sand.u32 @!p1 $0x7, s11;
	s15 =	sadd.s32 @!p1 s4, s15;
	s14 =	sand.u32 @!p1 $0x20, s14  }
0x1c: {  	[tilespmem:s14], [sflag:$0x2] =	stream.linear.gather @!p1 [hbm4b:s15+s16], $0x20, $0x38;
	[tilespmem:$0x4040] =	vst v63  }
0x1d: {  	p1 =	sge.u32 s31, s9  }
.Ltmp2:
0x1e: {  	_ = 	snop;
	(pc) =	sbr.rel @p1 .LBB2_9-.Ltmp2, $1  }
0x1f: {  	_ =	sdelay $0x3  }
0x20: {  	s14 =	simm.s32 $0x1  }
0x21: {  	_ =	swait.ge [sflag:s8], $0x20;
	s16 =	sand.u32 $0x1, s12;
	s17 =	simm.s32 $0x0  }
0x22: {  	p2 =	por $0x1, $0x1;
	s14 =	simm.s32 @!p0 $0x0;
	[sflag:s8] =	ssyncset.done $0x0  }
0x23: {  	s15 =	sshll.u32 s16, $0x5;
	s16 =	sshll.u32 s16, $0xD;
	s14 =	sshll.u32 s14, $0xD  }
0x24: {  	[sflag:s8] =	ssyncadd.s32 $0xFFFFFFE0;
	s16 =	sor.u32 $0x40, s16;
	s14 =	sor.u32 $0x40, s14  }
.LBB2_3:
0x25: {  	s18 =	sshll.u32 s17, $0x4  }
0x26: {  	s18 =	sand.u32 $0x3FFFFFF0, s18  }
0x27: {  	s18 =	sadd.s32 s18, s15  }
0x28: {  	v0 =	vld.msk [tilespmem:s18+$0x0 ss:$0x1], $0xffff;
	_ =	sdelay $0x4  }
0x29: {  	vm2 =	vgt.s32 v0, $0x0  }
0x2a: {  	v0 =	vnsel vm2, $0x0, v0  }
0x2b: {  	v0 =	vmin.u32 v0, $0x5BF  }
0x2c: {  	s31 =	sshll.u32 s17, $0xC;
	v1 =	vshll.u32 v0, $0x5;
	v0 =	vshll.u32 v0, $0x4  }
0x2d: {  	p1 =	por p2, p2;
	s17 =	sand.u32 $0x3FFFF000, s31;
	v1 =	vand.u32 $0xFF00, v1;
	v0 =	vand.u32 $0x70, v0  }
0x2e: {  	p2 =	por $0x1, $0x1;
	s17 =	sadd.s32 s17, s16;
	s18 =	simm.s32 $0x0;
	v0 =	vor.u32 v0, v1  }
.LBB2_4:
0x2f: {  	_ =	sdelay $0x1  }
0x30: {  	s18 =	sshra.s32 s18, $0x2;
	p3 =	por p2, p2  }
.Ltmp3:
0x31: {  	s18 =	sadd.s32 s18, s17;
	(pc) =	sbr.rel @p3 .LBB2_4-.Ltmp3, $4  }
0x32: {  	[tilespmem:s18], [sflag:$0x1] =	stream.indirect_vreg.gather [hbm:s2], $0x80, v0, vm0, $0x38;
	[tilespmem:$0x4040] =	vst v63  }
0x33: {  	s18 =	sadd.s32 $0x800, s18  }
0x34: {  	[tilespmem:s18], [sflag:$0x1] =	stream.indirect_vreg.gather [hbm:s2], $0x80, v0, vm1, $0x38;
	[tilespmem:$0x4040] =	vst v63  }
0x35: {  	p2 =	por $0x0, $0x0;
	v0 =	vadd.s32 $0x80, v0;
	s18 =	simm.s32 $0x1000  }
.Ltmp4:
0x36: {  	(pc) =	sbr.rel @p1 .LBB2_3-.Ltmp4, $2  }
0x37: {  	_ =	sdelay $0x2  }
0x38: {  	s17 =	simm.s32 $0x1;
	p2 =	por $0x0, $0x0  }
0x39: {  	s15 =	sshll.u32 s13, $0x5  }
0x3a: {  	s31 =	sshll.u32 s13, $0x4;
	s15 =	sand.u32 $0xFFFFFF00, s15  }
0x3b: {  	_ =	swait.ge [sflag:s7], $0x2000;
	s13 =	sand.u32 $0x70, s31;
	s15 =	sadd.s32 s15, s5  }
0x3c: {  	s16 =	sadd.s32 $0x800, s14;
	[sflag:s7] =	ssyncset.done $0x0;
	s13 =	sadd.s32 s13, s15  }
0x3d: {  	[sflag:s7] =	ssyncadd.s32 $0xFFFFE000;
	s15 =	simm.s32 $0x100;
	s17 =	sadd.s32 $0x0, s13  }
.LBB2_7:
0x3e: {  	[hbm:s17] =	stream.linear.scatter [tilespmem:s14], [sflag:$0x3], $0x800, $0x38;
	[tilespmem:$0x4040] =	vst v63  }
0x3f: {  	s17 =	smov.u32 s15;
	s14 =	smov.u32 s16;
	p1 =	sne.s32 s15, $0x300  }
.Ltmp5:
0x40: {  	s15 =	sadd.s32 $0x100, s15;
	(pc) =	sbr.rel @p1 .LBB2_7-.Ltmp5, $2  }
0x41: {  	_ =	sdelay $0x2  }
0x42: {  	s16 =	sadd.s32 $0x800, s16;
	s17 =	sadd.s32 s17, s13  }
.Ltmp6:
0x43: {  	_ = 	snop;
	(pc) =	sbr.rel .LBB2_8-.Ltmp6, $1  }
0x44: {  	_ =	sdelay $0x3  }
.LBB2_10:
0x45: {  	_ =	sfence.sel $0x180000  }
0x46: {  	s2 =	simm.s32 $0x2;
	[bflag:$0x0] =	sbarrier.arrive $0xFFFF  }
0x47: {  	s30 =	simm.s32 $0x3;
	[sflag:s2] =	ssyncpa.u1 $0x1  }
0x48: {  	s31 =	simm.s32 $0x1;
	[sflag:s30] =	ssyncpa.u1 $0x1  }
0x49: {  	[sflag:s31] =	ssyncpa.u1 $0x1  }
0x4a: {  	p0 =	sne.s32 s0, $0x0;
	_ =	strace $0x90000050  }
0x4b: {  	s0 =	sadd.s32 @!p0 $0x100000, s1;
	[bflag:$0x2] =	sbarrier.arrive $0xFFFF  }
0x4c: {  	[sflag:s0] =	ssyncadd.tile.s32 @!p0 $0x1;
	_ =	shalt  }
.Lfunc_end2:
_tile_overlayer_lowered:
.L_overlay_start_2:
0x4d: {  	(tag) =	ssettag $0x2  }
0x4e: {  	s0 =	rddreg [dreg:$0x0];
	s2 =	stileid.u32  }
0x4f: {  	s1 =	rddreg [dreg:$0x1];
	p0 =	sne.s32 s2, $0x0  }
0x50: {  	s3 =	rddreg [dreg:$0x2];
	[bflag:$0x3] =	sbarrier.arrive $0xFFFF;
	s2 =	simm.s32 @!p0 $0x1C01  }
0x51: {  	[timem:s3], [sflag:s2] =	dma.local @!p0 [hbm:s0], s1  }
0x52: {  	s0 =	simm.s32 @!p0 $0x1  }
0x53: {  	_ =	swait.ge @!p0 [sflag:s0], s1  }
0x54: {  	s1 =	ssub.s32 @!p0 $0x0, s1;
	[sflag:s0] =	ssyncset.done @!p0 $0x0  }
0x55: {  	[sflag:s0] =	ssyncadd.s32 @!p0 s1  }
0x56: {  	[bflag:$0x3] =	sbarrier.arrive $0xFFFF  }
0x57: {  	_ =	shalt  }

</sc_bundles>
